<compile_context>
chip_gen: v7x
topology: tpu7x:2x2x1
jax: 0.10.2.dev20260603
libtpu: 0.0.44.dev20260713+nightly
codegen_flags: <defaults>
</compile_context>

<pallas_src>
import functools

import jax
import jax.numpy as jnp
from jax import lax
from jax.experimental import pallas as pl
from jax.experimental.pallas import tpu as pltpu
from jax.experimental.pallas import tpu_sc as plsc

E = 16
TOP_K = 2
H = 768
I = 256
T = 2048
TB = 256
NB = (TOP_K * T) // TB + E
NB2 = NB // 2
SLOTS = NB * TB
SLOTS2 = SLOTS
NTILES = 32
TPT = T // NTILES
SPT = SLOTS // NTILES



def _k1_body(x_ref, wr_ref, d0_ref, d1_ref, wt0_ref, wt1_ref, be_ref):
    x = x_ref[...]
    logits = lax.dot_general(x, wr_ref[...], (((1,), (1,)), ((), ())),
                             preferred_element_type=jnp.float32)
    scores = jax.nn.sigmoid(logits)
    eidx = lax.broadcasted_iota(jnp.int32, scores.shape, 1)
    m1 = jnp.max(scores, axis=1, keepdims=True)
    i1 = jnp.min(jnp.where(scores == m1, eidx, E), axis=1, keepdims=True)
    excl = eidx == i1
    s2 = jnp.where(excl, -jnp.inf, scores)
    m2 = jnp.max(s2, axis=1, keepdims=True)
    i2 = jnp.min(jnp.where(s2 == m2, eidx, E), axis=1, keepdims=True)
    denom = m1 + m2 + 1e-20
    w1 = m1 / denom
    w2 = m2 / denom

    oh1 = (eidx == i1).astype(jnp.float32)
    oh2 = (eidx == i2).astype(jnp.float32)
    oh = oh1 + oh2
    r_io = lax.broadcasted_iota(jnp.int32, (T, T), 0)
    c_io = lax.broadcasted_iota(jnp.int32, (T, T), 1)
    tri = (c_io < r_io).astype(jnp.float32)
    c = lax.dot_general(tri, oh, (((1,), (0,)), ((), ())),
                        preferred_element_type=jnp.float32)
    counts = jnp.sum(oh, axis=0, keepdims=True)
    nb = jnp.floor((counts + (TB - 1)) / TB)
    e_io0 = lax.broadcasted_iota(jnp.int32, (E, E), 0)
    e_io1 = lax.broadcasted_iota(jnp.int32, (E, E), 1)
    triu = (e_io0 < e_io1).astype(jnp.float32)
    base_block = lax.dot_general(nb, triu, (((1,), (0,)), ((), ())),
                                 preferred_element_type=jnp.float32)
    slot_base = TB * base_block
    vals = slot_base + c
    dest0 = jnp.sum(oh1 * vals, axis=1, keepdims=True)
    dest1 = jnp.sum(oh2 * vals, axis=1, keepdims=True)
    d0_ref[...] = jnp.transpose(dest0.astype(jnp.int32)).reshape(T)
    d1_ref[...] = jnp.transpose(dest1.astype(jnp.int32)).reshape(T)
    wt0_ref[...] = jnp.transpose(w1).reshape(T)
    wt1_ref[...] = jnp.transpose(w2).reshape(T)

    ends = base_block + nb
    jrow = lax.broadcasted_iota(jnp.int32, (1, 128), 1).astype(jnp.float32)
    cmp = (jnp.transpose(base_block) <= jrow).astype(jnp.float32)
    bexp = jnp.sum(cmp, axis=0, keepdims=True) - 1.0
    num_active = jnp.sum(nb, axis=1, keepdims=True)
    lane = lax.broadcasted_iota(jnp.int32, (1, 128), 1)
    meta = jnp.where(lane == 127, num_active, bexp)
    be_ref[...] = meta.astype(jnp.int32).reshape(128)


def _k1(x, W_router):
    return pl.pallas_call(
        _k1_body,
        out_shape=(
            jax.ShapeDtypeStruct((T,), jnp.int32),
            jax.ShapeDtypeStruct((T,), jnp.int32),
            jax.ShapeDtypeStruct((T,), jnp.float32),
            jax.ShapeDtypeStruct((T,), jnp.float32),
            jax.ShapeDtypeStruct((128,), jnp.int32),
        ),
    )(x, W_router)



def _k2_body(x_hbm, d0_hbm, d1_hbm, xs_hbm,
             d0_v, d1_v, rows_v, sem, sem2):
    wid = lax.axis_index("s") * 2 + lax.axis_index("c")
    base = wid * TPT
    pltpu.sync_copy(d0_hbm.at[pl.ds(base, TPT)], d0_v)
    pltpu.sync_copy(d1_hbm.at[pl.ds(base, TPT)], d1_v)
    pltpu.sync_copy(x_hbm.at[pl.ds(base, TPT)], rows_v)
    c0 = pltpu.async_copy(rows_v, xs_hbm.at[d0_v], sem)
    c1 = pltpu.async_copy(rows_v, xs_hbm.at[d1_v], sem2)
    c0.wait()
    c1.wait()


def _k2(x, dest0, dest1):
    mesh = plsc.VectorSubcoreMesh(core_axis_name="c", subcore_axis_name="s")
    return pl.kernel(
        _k2_body,
        mesh=mesh,
        compiler_params=pltpu.CompilerParams(needs_layout_passes=False),
        out_type=jax.ShapeDtypeStruct((SLOTS, H), jnp.float32),
        scratch_types=[
            pltpu.VMEM((TPT,), jnp.int32),
            pltpu.VMEM((TPT,), jnp.int32),
            pltpu.VMEM((TPT, H), jnp.float32),
            pltpu.SemaphoreType.DMA,
            pltpu.SemaphoreType.DMA,
        ],
    )(x, dest0, dest1)



def _k3_body(be_ref, xs_ref, wg0_ref, wu0_ref, wd0_ref,
             wg1_ref, wu1_ref, wd1_ref, ys_ref):
    j = pl.program_id(0)
    na = be_ref[127]

    for p in range(2):
        @pl.when(2 * j + p < na)
        def _mlp():
            xs = xs_ref[pl.ds(p * TB, TB), :]
            wg = (wg0_ref, wg1_ref)[p]
            wu = (wu0_ref, wu1_ref)[p]
            wd = (wd0_ref, wd1_ref)[p]
            g = lax.dot_general(xs, wg[0], (((1,), (0,)), ((), ())),
                                preferred_element_type=jnp.float32)
            u = lax.dot_general(xs, wu[0], (((1,), (0,)), ((), ())),
                                preferred_element_type=jnp.float32)
            hmid = g * jax.nn.sigmoid(g) * u
            ys_ref[pl.ds(p * TB, TB), :] = lax.dot_general(
                hmid, wd[0], (((1,), (0,)), ((), ())),
                preferred_element_type=jnp.float32)


def _k3(xs, W_gate, W_up, W_down, be):
    def _be(idx):
        return lambda j, be: (be[jnp.minimum(idx(j), NB - 1)], 0, 0)

    grid_spec = pltpu.PrefetchScalarGridSpec(
        num_scalar_prefetch=1,
        grid=(NB2,),
        in_specs=[
            pl.BlockSpec((2 * TB, H), lambda j, be: (j, 0)),
            pl.BlockSpec((1, H, I), _be(lambda j: 2 * j)),
            pl.BlockSpec((1, H, I), _be(lambda j: 2 * j)),
            pl.BlockSpec((1, I, H), _be(lambda j: 2 * j)),
            pl.BlockSpec((1, H, I), _be(lambda j: 2 * j + 1)),
            pl.BlockSpec((1, H, I), _be(lambda j: 2 * j + 1)),
            pl.BlockSpec((1, I, H), _be(lambda j: 2 * j + 1)),
        ],
        out_specs=pl.BlockSpec((2 * TB, H), lambda j, be: (j, 0)),
    )
    return pl.pallas_call(
        _k3_body,
        grid_spec=grid_spec,
        out_shape=jax.ShapeDtypeStruct((SLOTS2, H), jnp.float32),
    )(be, xs, W_gate, W_up, W_down, W_gate, W_up, W_down)



def _k4_body(ys_hbm, d0_hbm, d1_hbm, wt0_hbm, wt1_hbm, out_hbm,
             d0_v, d1_v, w0_v, w1_v, rows0_v, rows1_v, sem, sem2):
    wid = lax.axis_index("s") * 2 + lax.axis_index("c")
    base = wid * TPT
    pltpu.sync_copy(d0_hbm.at[pl.ds(base, TPT)], d0_v)
    pltpu.sync_copy(d1_hbm.at[pl.ds(base, TPT)], d1_v)
    pltpu.sync_copy(wt0_hbm.at[pl.ds(base, TPT)], w0_v)
    pltpu.sync_copy(wt1_hbm.at[pl.ds(base, TPT)], w1_v)
    c0 = pltpu.async_copy(ys_hbm.at[d0_v], rows0_v, sem)
    c1 = pltpu.async_copy(ys_hbm.at[d1_v], rows1_v, sem2)
    c0.wait()
    c1.wait()

    def _tok(r, _):
        rsplat = jnp.full((16,), 0, jnp.int32) + r
        wa = plsc.load_gather(w0_v, [rsplat])
        wb = plsc.load_gather(w1_v, [rsplat])
        def _chunk(cidx, _):
            a = rows0_v[r, pl.ds(cidx * 16, 16)]
            b = rows1_v[r, pl.ds(cidx * 16, 16)]
            rows0_v[r, pl.ds(cidx * 16, 16)] = a * wa + b * wb
            return 0
        lax.fori_loop(0, H // 16, _chunk, 0, unroll=8)
        return 0
    lax.fori_loop(0, TPT, _tok, 0)
    pltpu.sync_copy(rows0_v, out_hbm.at[pl.ds(base, TPT)])


def _k4(ys, dest0, dest1, wt0, wt1):
    mesh = plsc.VectorSubcoreMesh(core_axis_name="c", subcore_axis_name="s")
    return pl.kernel(
        _k4_body,
        mesh=mesh,
        compiler_params=pltpu.CompilerParams(needs_layout_passes=False),
        out_type=jax.ShapeDtypeStruct((T, H), jnp.float32),
        scratch_types=[
            pltpu.VMEM((TPT,), jnp.int32),
            pltpu.VMEM((TPT,), jnp.int32),
            pltpu.VMEM((TPT,), jnp.float32),
            pltpu.VMEM((TPT,), jnp.float32),
            pltpu.VMEM((TPT, H), jnp.float32),
            pltpu.VMEM((TPT, H), jnp.float32),
            pltpu.SemaphoreType.DMA,
            pltpu.SemaphoreType.DMA,
        ],
    )(ys, dest0, dest1, wt0, wt1)



def kernel(hidden_states, W_router, W_gate, W_up, W_down):
    b, s, h = hidden_states.shape
    x = hidden_states.reshape(T, h)
    dest0, dest1, wt0, wt1, be = _k1(x, W_router)
    xs = _k2(x, dest0, dest1)
    ys = _k3(xs, W_gate, W_up, W_down, be)
    out = _k4(ys, dest0, dest1, wt0, wt1)
    return out.reshape(b, s, h)

# --- scband reference (transcript-rebuilt; emitter-appended) ---
"""Pipeline reference for scband-qeff-prefill-only-deepseek-v3-mo-e-90675349553492 (READ-ONLY COPY).

The authoritative reference and input builder live on the scoring server;
editing this copy changes nothing except your own understanding.
"""

import jax, jax.numpy as jnp
import numpy as np

E = 16
TOP_K = 2
H = 768
I = 256
B = 1
S = 2048


def setup_inputs(seed: int = 0) -> dict:
    key = jax.random.key(seed)
    ks = jax.random.split(key, 5)
    hidden_states = jax.random.normal(ks[0], (B, S, H), dtype=jnp.float32)
    W_router = jax.random.normal(ks[1], (E, H), dtype=jnp.float32) * 0.02
    W_gate = jax.random.normal(ks[2], (E, H, I), dtype=jnp.float32) * 0.02
    W_up = jax.random.normal(ks[3], (E, H, I), dtype=jnp.float32) * 0.02
    W_down = jax.random.normal(ks[4], (E, I, H), dtype=jnp.float32) * 0.02
    return {"hidden_states": hidden_states, "W_router": W_router, "W_gate": W_gate, "W_up": W_up, "W_down": W_down}


def reference(hidden_states, W_router, W_gate, W_up, W_down):
    b, s, h = hidden_states.shape
    T = b * s
    x = hidden_states.reshape(T, h)
    # Gate: DeepseekV3-style sigmoid scoring + top-k + renormalization
    router_logits = x @ W_router.T                      # [T, E]
    scores = jax.nn.sigmoid(router_logits)
    topk_weight, topk_idx = jax.lax.top_k(scores, TOP_K)  # [T, K]
    topk_weight = topk_weight / (jnp.sum(topk_weight, axis=-1, keepdims=True) + 1e-20)
    # routing_weights.scatter_(1, topk_idx, topk_weight)  -> overwrite scatter
    routing_weights = jnp.zeros((T, E), dtype=x.dtype)
    routing_weights = routing_weights.at[jnp.arange(T)[:, None], topk_idx].set(topk_weight)
    # Expert-blocked dispatch (NSP packed cumsum gather/scatter) is mathematically
    # equivalent to: sum_e MLP_e(x) * routing_weights[:, e]
    g = jnp.einsum('th,ehi->eti', x, W_gate)            # [E, T, I]
    u = jnp.einsum('th,ehi->eti', x, W_up)              # [E, T, I]
    hmid = jax.nn.silu(g) * u                            # act_fn(gate) * up
    d = jnp.einsum('eti,eih->eth', hmid, W_down)        # [E, T, H]
    out = jnp.einsum('eth,te->th', d, routing_weights)  # weighted scatter-add over experts
    return out.reshape(b, s, h)

if __name__ == "__main__":
    import jax
    _d = setup_inputs()
    print(jax.jit(kernel)(*tuple(_d.values())))

</pallas_src>

<mosaic_0001>
#map = affine_map<(d0, d1) -> (0, 0)>
#map1 = affine_map<(d0, d1) -> (0)>
module attributes {stable_mosaic.version = 14 : i64} {
  func.func @_k4_body(%arg0: i32, %arg1: i32, %arg2: memref<8192x768xf32, #tpu.memory_space<hbm>>, %arg3: memref<2048xi32, #tpu.memory_space<hbm>>, %arg4: memref<2048xi32, #tpu.memory_space<hbm>>, %arg5: memref<2048xf32, #tpu.memory_space<hbm>>, %arg6: memref<2048xf32, #tpu.memory_space<hbm>>, %arg7: memref<2048x768xf32, #tpu.memory_space<hbm>>, %arg8: memref<64xi32, #tpu.memory_space<vmem>>, %arg9: memref<64xi32, #tpu.memory_space<vmem>>, %arg10: memref<64xf32, #tpu.memory_space<vmem>>, %arg11: memref<64xf32, #tpu.memory_space<vmem>>, %arg12: memref<64x768xf32, #tpu.memory_space<vmem>>, %arg13: memref<64x768xf32, #tpu.memory_space<vmem>>, %arg14: memref<!tpu.dma_semaphore, #tpu.memory_space<semaphore_mem>>, %arg15: memref<!tpu.dma_semaphore, #tpu.memory_space<semaphore_mem>>) attributes {dimension_semantics = [#tpu.dimension_semantics<core_parallel>, #tpu.dimension_semantics<subcore_parallel>], iteration_bounds = array<i64: 2, 16>, scalar_prefetch = 0 : i64, scratch_operands = 8 : i64, tpu.core_type = #tpu.core_type<sc_vector_subcore>, window_params = [{transform_indices = #map}, {transform_indices = #map1}, {transform_indices = #map1}, {transform_indices = #map1}, {transform_indices = #map1}, {transform_indices = #map}]} {
    %mul3A = arith.constant 2 : i32
    %mul3A_0 = arith.muli %arg1, %mul3A : i32
    %add3A = arith.addi %mul3A_0, %arg0 : i32
    %mul3A_1 = arith.constant 64 : i32
    %mul3A_2 = arith.muli %add3A, %mul3A_1 : i32
    "tpu.region"() ({
      %run_scoped3A = tpu.sem_alloc : memref<!tpu.dma_semaphore, #tpu.memory_space<semaphore_mem>>
      %dma_start3A_19 = tpu.memref_slice %arg3[%mul3A_2] : memref<2048xi32, #tpu.memory_space<hbm>> -> memref<64xi32, #tpu.memory_space<hbm>>
      %dma_start3A_20 = tpu.memref_slice %arg3[%mul3A_2] : memref<2048xi32, #tpu.memory_space<hbm>> -> memref<64xi32, #tpu.memory_space<hbm>>
      tpu.enqueue_dma source(%dma_start3A_20 : memref<64xi32, #tpu.memory_space<hbm>>) target(%arg8 : memref<64xi32, #tpu.memory_space<vmem>>) target_semaphore(%run_scoped3A : memref<!tpu.dma_semaphore, #tpu.memory_space<semaphore_mem>>)
      %dma_wait3A_21 = tpu.memref_slice %arg3[%mul3A_2] : memref<2048xi32, #tpu.memory_space<hbm>> -> memref<64xi32, #tpu.memory_space<hbm>>
      %dma_wait3A_22 = tpu.memref_slice %arg3[%mul3A_2] : memref<2048xi32, #tpu.memory_space<hbm>> -> memref<64xi32, #tpu.memory_space<hbm>>
      tpu.wait_dma2 semaphore(%run_scoped3A : memref<!tpu.dma_semaphore, #tpu.memory_space<semaphore_mem>>) src(%dma_wait3A_22 : memref<64xi32, #tpu.memory_space<hbm>>) dst(%arg8 : memref<64xi32, #tpu.memory_space<vmem>>)
      tpu.yield
    }) : () -> ()
    "tpu.region"() ({
      %run_scoped3A = tpu.sem_alloc : memref<!tpu.dma_semaphore, #tpu.memory_space<semaphore_mem>>
      %dma_start3A_19 = tpu.memref_slice %arg4[%mul3A_2] : memref<2048xi32, #tpu.memory_space<hbm>> -> memref<64xi32, #tpu.memory_space<hbm>>
      %dma_start3A_20 = tpu.memref_slice %arg4[%mul3A_2] : memref<2048xi32, #tpu.memory_space<hbm>> -> memref<64xi32, #tpu.memory_space<hbm>>
      tpu.enqueue_dma source(%dma_start3A_20 : memref<64xi32, #tpu.memory_space<hbm>>) target(%arg9 : memref<64xi32, #tpu.memory_space<vmem>>) target_semaphore(%run_scoped3A : memref<!tpu.dma_semaphore, #tpu.memory_space<semaphore_mem>>)
      %dma_wait3A_21 = tpu.memref_slice %arg4[%mul3A_2] : memref<2048xi32, #tpu.memory_space<hbm>> -> memref<64xi32, #tpu.memory_space<hbm>>
      %dma_wait3A_22 = tpu.memref_slice %arg4[%mul3A_2] : memref<2048xi32, #tpu.memory_space<hbm>> -> memref<64xi32, #tpu.memory_space<hbm>>
      tpu.wait_dma2 semaphore(%run_scoped3A : memref<!tpu.dma_semaphore, #tpu.memory_space<semaphore_mem>>) src(%dma_wait3A_22 : memref<64xi32, #tpu.memory_space<hbm>>) dst(%arg9 : memref<64xi32, #tpu.memory_space<vmem>>)
      tpu.yield
    }) : () -> ()
    "tpu.region"() ({
      %run_scoped3A = tpu.sem_alloc : memref<!tpu.dma_semaphore, #tpu.memory_space<semaphore_mem>>
      %dma_start3A_19 = tpu.memref_slice %arg5[%mul3A_2] : memref<2048xf32, #tpu.memory_space<hbm>> -> memref<64xf32, #tpu.memory_space<hbm>>
      %dma_start3A_20 = tpu.memref_slice %arg5[%mul3A_2] : memref<2048xf32, #tpu.memory_space<hbm>> -> memref<64xf32, #tpu.memory_space<hbm>>
      tpu.enqueue_dma source(%dma_start3A_20 : memref<64xf32, #tpu.memory_space<hbm>>) target(%arg10 : memref<64xf32, #tpu.memory_space<vmem>>) target_semaphore(%run_scoped3A : memref<!tpu.dma_semaphore, #tpu.memory_space<semaphore_mem>>)
      %dma_wait3A_21 = tpu.memref_slice %arg5[%mul3A_2] : memref<2048xf32, #tpu.memory_space<hbm>> -> memref<64xf32, #tpu.memory_space<hbm>>
      %dma_wait3A_22 = tpu.memref_slice %arg5[%mul3A_2] : memref<2048xf32, #tpu.memory_space<hbm>> -> memref<64xf32, #tpu.memory_space<hbm>>
      tpu.wait_dma2 semaphore(%run_scoped3A : memref<!tpu.dma_semaphore, #tpu.memory_space<semaphore_mem>>) src(%dma_wait3A_22 : memref<64xf32, #tpu.memory_space<hbm>>) dst(%arg10 : memref<64xf32, #tpu.memory_space<vmem>>)
      tpu.yield
    }) : () -> ()
    "tpu.region"() ({
      %run_scoped3A = tpu.sem_alloc : memref<!tpu.dma_semaphore, #tpu.memory_space<semaphore_mem>>
      %dma_start3A_19 = tpu.memref_slice %arg6[%mul3A_2] : memref<2048xf32, #tpu.memory_space<hbm>> -> memref<64xf32, #tpu.memory_space<hbm>>
      %dma_start3A_20 = tpu.memref_slice %arg6[%mul3A_2] : memref<2048xf32, #tpu.memory_space<hbm>> -> memref<64xf32, #tpu.memory_space<hbm>>
      tpu.enqueue_dma source(%dma_start3A_20 : memref<64xf32, #tpu.memory_space<hbm>>) target(%arg11 : memref<64xf32, #tpu.memory_space<vmem>>) target_semaphore(%run_scoped3A : memref<!tpu.dma_semaphore, #tpu.memory_space<semaphore_mem>>)
      %dma_wait3A_21 = tpu.memref_slice %arg6[%mul3A_2] : memref<2048xf32, #tpu.memory_space<hbm>> -> memref<64xf32, #tpu.memory_space<hbm>>
      %dma_wait3A_22 = tpu.memref_slice %arg6[%mul3A_2] : memref<2048xf32, #tpu.memory_space<hbm>> -> memref<64xf32, #tpu.memory_space<hbm>>
      tpu.wait_dma2 semaphore(%run_scoped3A : memref<!tpu.dma_semaphore, #tpu.memory_space<semaphore_mem>>) src(%dma_wait3A_22 : memref<64xf32, #tpu.memory_space<hbm>>) dst(%arg11 : memref<64xf32, #tpu.memory_space<vmem>>)
      tpu.yield
    }) : () -> ()
    %dma_start3A = arith.constant 0 : i32
    %dma_start3A_3 = arith.constant 0 : i32
    %dma_start3A_4 = tpu.memref_slice %arg2[%dma_start3A, %dma_start3A_3] : memref<8192x768xf32, #tpu.memory_space<hbm>> -> memref<8192x768xf32, #tpu.memory_space<hbm>>
    tpu.enqueue_indirect_dma source(%dma_start3A_4 : memref<8192x768xf32, #tpu.memory_space<hbm>>) target(%arg12 : memref<64x768xf32, #tpu.memory_space<vmem>>) offsets(%arg8 : memref<64xi32, #tpu.memory_space<vmem>>) semaphore(%arg14 : memref<!tpu.dma_semaphore, #tpu.memory_space<semaphore_mem>>)
    %dma_start3A_5 = arith.constant 0 : i32
    %dma_start3A_6 = arith.constant 0 : i32
    %dma_start3A_7 = tpu.memref_slice %arg2[%dma_start3A_5, %dma_start3A_6] : memref<8192x768xf32, #tpu.memory_space<hbm>> -> memref<8192x768xf32, #tpu.memory_space<hbm>>
    tpu.enqueue_indirect_dma source(%dma_start3A_7 : memref<8192x768xf32, #tpu.memory_space<hbm>>) target(%arg13 : memref<64x768xf32, #tpu.memory_space<vmem>>) offsets(%arg9 : memref<64xi32, #tpu.memory_space<vmem>>) semaphore(%arg15 : memref<!tpu.dma_semaphore, #tpu.memory_space<semaphore_mem>>)
    %dma_wait3A = arith.constant 0 : i32
    %dma_wait3A_8 = arith.constant 0 : i32
    %dma_wait3A_9 = tpu.memref_slice %arg2[%dma_wait3A, %dma_wait3A_8] : memref<8192x768xf32, #tpu.memory_space<hbm>> -> memref<8192x768xf32, #tpu.memory_space<hbm>>
    tpu.wait_indirect_dma semaphore(%arg14 : memref<!tpu.dma_semaphore, #tpu.memory_space<semaphore_mem>>) src(%dma_wait3A_9 : memref<8192x768xf32, #tpu.memory_space<hbm>>) dst(%arg12 : memref<64x768xf32, #tpu.memory_space<vmem>>)
    %dma_wait3A_10 = arith.constant 0 : i32
    %dma_wait3A_11 = arith.constant 0 : i32
    %dma_wait3A_12 = tpu.memref_slice %arg2[%dma_wait3A_10, %dma_wait3A_11] : memref<8192x768xf32, #tpu.memory_space<hbm>> -> memref<8192x768xf32, #tpu.memory_space<hbm>>
    tpu.wait_indirect_dma semaphore(%arg15 : memref<!tpu.dma_semaphore, #tpu.memory_space<semaphore_mem>>) src(%dma_wait3A_12 : memref<8192x768xf32, #tpu.memory_space<hbm>>) dst(%arg13 : memref<64x768xf32, #tpu.memory_space<vmem>>)
    %scan3A = arith.constant 0 : i32
    %scan3A_13 = arith.constant 0 : i32
    %scan3A_14 = arith.constant 64 : i32
    %scan3A_15 = arith.addi %scan3A_13, %scan3A_14 : i32
    %scan3A_16 = arith.constant 1 : i32
    %scan3A_17 = scf.for %scan3A_19 = %scan3A_13 to %scan3A_15 step %scan3A_16 iter_args(%scan3A_20 = %scan3A) -> (i32)  : i32 {
      %broadcast_in_dim3A = arith.constant 0 : i32
      %broadcast_in_dim3A_21 = vector.broadcast %broadcast_in_dim3A : i32 to vector<16xi32>
      %add3A_22 = vector.broadcast %scan3A_19 : i32 to vector<16xi32>
      %add3A_23 = arith.addi %broadcast_in_dim3A_21, %add3A_22 : vector<16xi32>
      %gather3A = tpu.vector_load_idx %arg10[%add3A_23] : memref<64xf32, #tpu.memory_space<vmem>>[vector<16xi32>], vector<16xf32>,
      %gather3A_24 = tpu.vector_load_idx %arg11[%add3A_23] : memref<64xf32, #tpu.memory_space<vmem>>[vector<16xi32>], vector<16xf32>,
      %scan3A_25 = arith.constant 0 : i32
      %scan3A_26 = arith.constant 0 : i32
      %scan3A_27 = arith.constant 48 : i32
      %scan3A_28 = arith.addi %scan3A_26, %scan3A_27 : i32
      %scan3A_29 = arith.constant 8 : i32
      %scan3A_30 = scf.for %scan3A_33 = %scan3A_26 to %scan3A_28 step %scan3A_29 iter_args(%scan3A_34 = %scan3A_25) -> (i32)  : i32 {
        %mul3A_35 = arith.constant 16 : i32
        %mul3A_36 = arith.muli %scan3A_33, %mul3A_35 : i32
        %get3A = arith.index_cast %scan3A_19 : i32 to index
        %get3A_37 = arith.index_cast %mul3A_36 : i32 to index
        %get3A_38 = tpu.vector_load %arg12[%get3A, %get3A_37] {strides = array<i32>} : memref<64x768xf32, #tpu.memory_space<vmem>>, vector<16xf32>,
        %mul3A_39 = arith.constant 16 : i32
        %mul3A_40 = arith.muli %scan3A_33, %mul3A_39 : i32
        %get3A_41 = arith.index_cast %scan3A_19 : i32 to index
        %get3A_42 = arith.index_cast %mul3A_40 : i32 to index
        %get3A_43 = tpu.vector_load %arg13[%get3A_41, %get3A_42] {strides = array<i32>} : memref<64x768xf32, #tpu.memory_space<vmem>>, vector<16xf32>,
        %mul3A_44 = arith.mulf %get3A_38, %gather3A : vector<16xf32>
        %mul3A_45 = arith.mulf %get3A_43, %gather3A_24 : vector<16xf32>
        %add3A_46 = arith.addf %mul3A_44, %mul3A_45 : vector<16xf32>
        %mul3A_47 = arith.constant 16 : i32
        %mul3A_48 = arith.muli %scan3A_33, %mul3A_47 : i32
        %swap3A = arith.index_cast %scan3A_19 : i32 to index
        %swap3A_49 = arith.index_cast %mul3A_48 : i32 to index
        %swap3A_50 = tpu.vector_load %arg12[%swap3A, %swap3A_49] {strides = array<i32>} : memref<64x768xf32, #tpu.memory_space<vmem>>, vector<16xf32>,
        tpu.vector_store %arg12[%swap3A, %swap3A_49], %add3A_46 {strides = array<i32>} : memref<64x768xf32, #tpu.memory_space<vmem>>, vector<16xf32>,
        %scan3A_51 = arith.constant 0 : i32
        %scan3A_52 = arith.constant 1 : i32
        %scan3A_53 = arith.addi %scan3A_33, %scan3A_52 : i32
        %mul3A_54 = arith.constant 16 : i32
        %mul3A_55 = arith.muli %scan3A_53, %mul3A_54 : i32
        %get3A_56 = arith.index_cast %scan3A_19 : i32 to index
        %get3A_57 = arith.index_cast %mul3A_55 : i32 to index
        %get3A_58 = tpu.vector_load %arg12[%get3A_56, %get3A_57] {strides = array<i32>} : memref<64x768xf32, #tpu.memory_space<vmem>>, vector<16xf32>,
        %mul3A_59 = arith.constant 16 : i32
        %mul3A_60 = arith.muli %scan3A_53, %mul3A_59 : i32
        %get3A_61 = arith.index_cast %scan3A_19 : i32 to index
        %get3A_62 = arith.index_cast %mul3A_60 : i32 to index
        %get3A_63 = tpu.vector_load %arg13[%get3A_61, %get3A_62] {strides = array<i32>} : memref<64x768xf32, #tpu.memory_space<vmem>>, vector<16xf32>,
        %mul3A_64 = arith.mulf %get3A_58, %gather3A : vector<16xf32>
        %mul3A_65 = arith.mulf %get3A_63, %gather3A_24 : vector<16xf32>
        %add3A_66 = arith.addf %mul3A_64, %mul3A_65 : vector<16xf32>
        %mul3A_67 = arith.constant 16 : i32
        %mul3A_68 = arith.muli %scan3A_53, %mul3A_67 : i32
        %swap3A_69 = arith.index_cast %scan3A_19 : i32 to index
        %swap3A_70 = arith.index_cast %mul3A_68 : i32 to index
        %swap3A_71 = tpu.vector_load %arg12[%swap3A_69, %swap3A_70] {strides = array<i32>} : memref<64x768xf32, #tpu.memory_space<vmem>>, vector<16xf32>,
        tpu.vector_store %arg12[%swap3A_69, %swap3A_70], %add3A_66 {strides = array<i32>} : memref<64x768xf32, #tpu.memory_space<vmem>>, vector<16xf32>,
        %scan3A_72 = arith.constant 0 : i32
        %scan3A_73 = arith.constant 2 : i32
        %scan3A_74 = arith.addi %scan3A_33, %scan3A_73 : i32
        %mul3A_75 = arith.constant 16 : i32
        %mul3A_76 = arith.muli %scan3A_74, %mul3A_75 : i32
        %get3A_77 = arith.index_cast %scan3A_19 : i32 to index
        %get3A_78 = arith.index_cast %mul3A_76 : i32 to index
        %get3A_79 = tpu.vector_load %arg12[%get3A_77, %get3A_78] {strides = array<i32>} : memref<64x768xf32, #tpu.memory_space<vmem>>, vector<16xf32>,
        %mul3A_80 = arith.constant 16 : i32
        %mul3A_81 = arith.muli %scan3A_74, %mul3A_80 : i32
        %get3A_82 = arith.index_cast %scan3A_19 : i32 to index
        %get3A_83 = arith.index_cast %mul3A_81 : i32 to index
        %get3A_84 = tpu.vector_load %arg13[%get3A_82, %get3A_83] {strides = array<i32>} : memref<64x768xf32, #tpu.memory_space<vmem>>, vector<16xf32>,
        %mul3A_85 = arith.mulf %get3A_79, %gather3A : vector<16xf32>
        %mul3A_86 = arith.mulf %get3A_84, %gather3A_24 : vector<16xf32>
        %add3A_87 = arith.addf %mul3A_85, %mul3A_86 : vector<16xf32>
        %mul3A_88 = arith.constant 16 : i32
        %mul3A_89 = arith.muli %scan3A_74, %mul3A_88 : i32
        %swap3A_90 = arith.index_cast %scan3A_19 : i32 to index
        %swap3A_91 = arith.index_cast %mul3A_89 : i32 to index
        %swap3A_92 = tpu.vector_load %arg12[%swap3A_90, %swap3A_91] {strides = array<i32>} : memref<64x768xf32, #tpu.memory_space<vmem>>, vector<16xf32>,
        tpu.vector_store %arg12[%swap3A_90, %swap3A_91], %add3A_87 {strides = array<i32>} : memref<64x768xf32, #tpu.memory_space<vmem>>, vector<16xf32>,
        %scan3A_93 = arith.constant 0 : i32
        %scan3A_94 = arith.constant 3 : i32
        %scan3A_95 = arith.addi %scan3A_33, %scan3A_94 : i32
        %mul3A_96 = arith.constant 16 : i32
        %mul3A_97 = arith.muli %scan3A_95, %mul3A_96 : i32
        %get3A_98 = arith.index_cast %scan3A_19 : i32 to index
        %get3A_99 = arith.index_cast %mul3A_97 : i32 to index
        %get3A_100 = tpu.vector_load %arg12[%get3A_98, %get3A_99] {strides = array<i32>} : memref<64x768xf32, #tpu.memory_space<vmem>>, vector<16xf32>,
        %mul3A_101 = arith.constant 16 : i32
        %mul3A_102 = arith.muli %scan3A_95, %mul3A_101 : i32
        %get3A_103 = arith.index_cast %scan3A_19 : i32 to index
        %get3A_104 = arith.index_cast %mul3A_102 : i32 to index
        %get3A_105 = tpu.vector_load %arg13[%get3A_103, %get3A_104] {strides = array<i32>} : memref<64x768xf32, #tpu.memory_space<vmem>>, vector<16xf32>,
        %mul3A_106 = arith.mulf %get3A_100, %gather3A : vector<16xf32>
        %mul3A_107 = arith.mulf %get3A_105, %gather3A_24 : vector<16xf32>
        %add3A_108 = arith.addf %mul3A_106, %mul3A_107 : vector<16xf32>
        %mul3A_109 = arith.constant 16 : i32
        %mul3A_110 = arith.muli %scan3A_95, %mul3A_109 : i32
        %swap3A_111 = arith.index_cast %scan3A_19 : i32 to index
        %swap3A_112 = arith.index_cast %mul3A_110 : i32 to index
        %swap3A_113 = tpu.vector_load %arg12[%swap3A_111, %swap3A_112] {strides = array<i32>} : memref<64x768xf32, #tpu.memory_space<vmem>>, vector<16xf32>,
        tpu.vector_store %arg12[%swap3A_111, %swap3A_112], %add3A_108 {strides = array<i32>} : memref<64x768xf32, #tpu.memory_space<vmem>>, vector<16xf32>,
        %scan3A_114 = arith.constant 0 : i32
        %scan3A_115 = arith.constant 4 : i32
        %scan3A_116 = arith.addi %scan3A_33, %scan3A_115 : i32
        %mul3A_117 = arith.constant 16 : i32
        %mul3A_118 = arith.muli %scan3A_116, %mul3A_117 : i32
        %get3A_119 = arith.index_cast %scan3A_19 : i32 to index
        %get3A_120 = arith.index_cast %mul3A_118 : i32 to index
        %get3A_121 = tpu.vector_load %arg12[%get3A_119, %get3A_120] {strides = array<i32>} : memref<64x768xf32, #tpu.memory_space<vmem>>, vector<16xf32>,
        %mul3A_122 = arith.constant 16 : i32
        %mul3A_123 = arith.muli %scan3A_116, %mul3A_122 : i32
        %get3A_124 = arith.index_cast %scan3A_19 : i32 to index
        %get3A_125 = arith.index_cast %mul3A_123 : i32 to index
        %get3A_126 = tpu.vector_load %arg13[%get3A_124, %get3A_125] {strides = array<i32>} : memref<64x768xf32, #tpu.memory_space<vmem>>, vector<16xf32>,
        %mul3A_127 = arith.mulf %get3A_121, %gather3A : vector<16xf32>
        %mul3A_128 = arith.mulf %get3A_126, %gather3A_24 : vector<16xf32>
        %add3A_129 = arith.addf %mul3A_127, %mul3A_128 : vector<16xf32>
        %mul3A_130 = arith.constant 16 : i32
        %mul3A_131 = arith.muli %scan3A_116, %mul3A_130 : i32
        %swap3A_132 = arith.index_cast %scan3A_19 : i32 to index
        %swap3A_133 = arith.index_cast %mul3A_131 : i32 to index
        %swap3A_134 = tpu.vector_load %arg12[%swap3A_132, %swap3A_133] {strides = array<i32>} : memref<64x768xf32, #tpu.memory_space<vmem>>, vector<16xf32>,
        tpu.vector_store %arg12[%swap3A_132, %swap3A_133], %add3A_129 {strides = array<i32>} : memref<64x768xf32, #tpu.memory_space<vmem>>, vector<16xf32>,
        %scan3A_135 = arith.constant 0 : i32
        %scan3A_136 = arith.constant 5 : i32
        %scan3A_137 = arith.addi %scan3A_33, %scan3A_136 : i32
        %mul3A_138 = arith.constant 16 : i32
        %mul3A_139 = arith.muli %scan3A_137, %mul3A_138 : i32
        %get3A_140 = arith.index_cast %scan3A_19 : i32 to index
        %get3A_141 = arith.index_cast %mul3A_139 : i32 to index
        %get3A_142 = tpu.vector_load %arg12[%get3A_140, %get3A_141] {strides = array<i32>} : memref<64x768xf32, #tpu.memory_space<vmem>>, vector<16xf32>,
        %mul3A_143 = arith.constant 16 : i32
        %mul3A_144 = arith.muli %scan3A_137, %mul3A_143 : i32
        %get3A_145 = arith.index_cast %scan3A_19 : i32 to index
        %get3A_146 = arith.index_cast %mul3A_144 : i32 to index
        %get3A_147 = tpu.vector_load %arg13[%get3A_145, %get3A_146] {strides = array<i32>} : memref<64x768xf32, #tpu.memory_space<vmem>>, vector<16xf32>,
        %mul3A_148 = arith.mulf %get3A_142, %gather3A : vector<16xf32>
        %mul3A_149 = arith.mulf %get3A_147, %gather3A_24 : vector<16xf32>
        %add3A_150 = arith.addf %mul3A_148, %mul3A_149 : vector<16xf32>
        %mul3A_151 = arith.constant 16 : i32
        %mul3A_152 = arith.muli %scan3A_137, %mul3A_151 : i32
        %swap3A_153 = arith.index_cast %scan3A_19 : i32 to index
        %swap3A_154 = arith.index_cast %mul3A_152 : i32 to index
        %swap3A_155 = tpu.vector_load %arg12[%swap3A_153, %swap3A_154] {strides = array<i32>} : memref<64x768xf32, #tpu.memory_space<vmem>>, vector<16xf32>,
        tpu.vector_store %arg12[%swap3A_153, %swap3A_154], %add3A_150 {strides = array<i32>} : memref<64x768xf32, #tpu.memory_space<vmem>>, vector<16xf32>,
        %scan3A_156 = arith.constant 0 : i32
        %scan3A_157 = arith.constant 6 : i32
        %scan3A_158 = arith.addi %scan3A_33, %scan3A_157 : i32
        %mul3A_159 = arith.constant 16 : i32
        %mul3A_160 = arith.muli %scan3A_158, %mul3A_159 : i32
        %get3A_161 = arith.index_cast %scan3A_19 : i32 to index
        %get3A_162 = arith.index_cast %mul3A_160 : i32 to index
        %get3A_163 = tpu.vector_load %arg12[%get3A_161, %get3A_162] {strides = array<i32>} : memref<64x768xf32, #tpu.memory_space<vmem>>, vector<16xf32>,
        %mul3A_164 = arith.constant 16 : i32
        %mul3A_165 = arith.muli %scan3A_158, %mul3A_164 : i32
        %get3A_166 = arith.index_cast %scan3A_19 : i32 to index
        %get3A_167 = arith.index_cast %mul3A_165 : i32 to index
        %get3A_168 = tpu.vector_load %arg13[%get3A_166, %get3A_167] {strides = array<i32>} : memref<64x768xf32, #tpu.memory_space<vmem>>, vector<16xf32>,
        %mul3A_169 = arith.mulf %get3A_163, %gather3A : vector<16xf32>
        %mul3A_170 = arith.mulf %get3A_168, %gather3A_24 : vector<16xf32>
        %add3A_171 = arith.addf %mul3A_169, %mul3A_170 : vector<16xf32>
        %mul3A_172 = arith.constant 16 : i32
        %mul3A_173 = arith.muli %scan3A_158, %mul3A_172 : i32
        %swap3A_174 = arith.index_cast %scan3A_19 : i32 to index
        %swap3A_175 = arith.index_cast %mul3A_173 : i32 to index
        %swap3A_176 = tpu.vector_load %arg12[%swap3A_174, %swap3A_175] {strides = array<i32>} : memref<64x768xf32, #tpu.memory_space<vmem>>, vector<16xf32>,
        tpu.vector_store %arg12[%swap3A_174, %swap3A_175], %add3A_171 {strides = array<i32>} : memref<64x768xf32, #tpu.memory_space<vmem>>, vector<16xf32>,
        %scan3A_177 = arith.constant 0 : i32
        %scan3A_178 = arith.constant 7 : i32
        %scan3A_179 = arith.addi %scan3A_33, %scan3A_178 : i32
        %mul3A_180 = arith.constant 16 : i32
        %mul3A_181 = arith.muli %scan3A_179, %mul3A_180 : i32
        %get3A_182 = arith.index_cast %scan3A_19 : i32 to index
        %get3A_183 = arith.index_cast %mul3A_181 : i32 to index
        %get3A_184 = tpu.vector_load %arg12[%get3A_182, %get3A_183] {strides = array<i32>} : memref<64x768xf32, #tpu.memory_space<vmem>>, vector<16xf32>,
        %mul3A_185 = arith.constant 16 : i32
        %mul3A_186 = arith.muli %scan3A_179, %mul3A_185 : i32
        %get3A_187 = arith.index_cast %scan3A_19 : i32 to index
        %get3A_188 = arith.index_cast %mul3A_186 : i32 to index
        %get3A_189 = tpu.vector_load %arg13[%get3A_187, %get3A_188] {strides = array<i32>} : memref<64x768xf32, #tpu.memory_space<vmem>>, vector<16xf32>,
        %mul3A_190 = arith.mulf %get3A_184, %gather3A : vector<16xf32>
        %mul3A_191 = arith.mulf %get3A_189, %gather3A_24 : vector<16xf32>
        %add3A_192 = arith.addf %mul3A_190, %mul3A_191 : vector<16xf32>
        %mul3A_193 = arith.constant 16 : i32
        %mul3A_194 = arith.muli %scan3A_179, %mul3A_193 : i32
        %swap3A_195 = arith.index_cast %scan3A_19 : i32 to index
        %swap3A_196 = arith.index_cast %mul3A_194 : i32 to index
        %swap3A_197 = tpu.vector_load %arg12[%swap3A_195, %swap3A_196] {strides = array<i32>} : memref<64x768xf32, #tpu.memory_space<vmem>>, vector<16xf32>,
        tpu.vector_store %arg12[%swap3A_195, %swap3A_196], %add3A_192 {strides = array<i32>} : memref<64x768xf32, #tpu.memory_space<vmem>>, vector<16xf32>,
        %scan3A_198 = arith.constant 0 : i32
        scf.yield %scan3A_198 : i32
      }
      %scan3A_31 = arith.constant 48 : i32
      %scan3A_32 = arith.constant 0 : i32
      scf.yield %scan3A_32 : i32
    }
    %scan3A_18 = arith.constant 64 : i32
    "tpu.region"() ({
      %run_scoped3A = tpu.sem_alloc : memref<!tpu.dma_semaphore, #tpu.memory_space<semaphore_mem>>
      %dma_start3A_19 = arith.constant 0 : i32
      %dma_start3A_20 = tpu.memref_slice %arg7[%mul3A_2, %dma_start3A_19] : memref<2048x768xf32, #tpu.memory_space<hbm>> -> memref<64x768xf32, #tpu.memory_space<hbm>>
      %dma_start3A_21 = arith.constant 0 : i32
      %dma_start3A_22 = tpu.memref_slice %arg7[%mul3A_2, %dma_start3A_21] : memref<2048x768xf32, #tpu.memory_space<hbm>> -> memref<64x768xf32, #tpu.memory_space<hbm>>
      tpu.enqueue_dma source(%arg12 : memref<64x768xf32, #tpu.memory_space<vmem>>) target(%dma_start3A_22 : memref<64x768xf32, #tpu.memory_space<hbm>>) target_semaphore(%run_scoped3A : memref<!tpu.dma_semaphore, #tpu.memory_space<semaphore_mem>>)
      %dma_wait3A_23 = arith.constant 0 : i32
      %dma_wait3A_24 = tpu.memref_slice %arg7[%mul3A_2, %dma_wait3A_23] : memref<2048x768xf32, #tpu.memory_space<hbm>> -> memref<64x768xf32, #tpu.memory_space<hbm>>
      %dma_wait3A_25 = arith.constant 0 : i32
      %dma_wait3A_26 = tpu.memref_slice %arg7[%mul3A_2, %dma_wait3A_25] : memref<2048x768xf32, #tpu.memory_space<hbm>> -> memref<64x768xf32, #tpu.memory_space<hbm>>
      tpu.wait_dma2 semaphore(%run_scoped3A : memref<!tpu.dma_semaphore, #tpu.memory_space<semaphore_mem>>) src(%arg12 : memref<64x768xf32, #tpu.memory_space<vmem>>) dst(%dma_wait3A_26 : memref<64x768xf32, #tpu.memory_space<hbm>>)
      tpu.yield
    }) : () -> ()
    return
  }
}

#map = affine_map<(d0, d1) -> (0, 0)>
#map1 = affine_map<(d0, d1) -> (0)>
module attributes {stable_mosaic.version = 14 : i64} {
  func.func @_k2_body(%arg0: i32, %arg1: i32, %arg2: memref<2048x768xf32, #tpu.memory_space<hbm>>, %arg3: memref<2048xi32, #tpu.memory_space<hbm>>, %arg4: memref<2048xi32, #tpu.memory_space<hbm>>, %arg5: memref<8192x768xf32, #tpu.memory_space<hbm>>, %arg6: memref<64xi32, #tpu.memory_space<vmem>>, %arg7: memref<64xi32, #tpu.memory_space<vmem>>, %arg8: memref<64x768xf32, #tpu.memory_space<vmem>>, %arg9: memref<!tpu.dma_semaphore, #tpu.memory_space<semaphore_mem>>, %arg10: memref<!tpu.dma_semaphore, #tpu.memory_space<semaphore_mem>>) attributes {dimension_semantics = [#tpu.dimension_semantics<core_parallel>, #tpu.dimension_semantics<subcore_parallel>], iteration_bounds = array<i64: 2, 16>, scalar_prefetch = 0 : i64, scratch_operands = 5 : i64, tpu.core_type = #tpu.core_type<sc_vector_subcore>, window_params = [{transform_indices = #map}, {transform_indices = #map1}, {transform_indices = #map1}, {transform_indices = #map}]} {
    %mul3A = arith.constant 2 : i32
    %mul3A_0 = arith.muli %arg1, %mul3A : i32
    %add3A = arith.addi %mul3A_0, %arg0 : i32
    %mul3A_1 = arith.constant 64 : i32
    %mul3A_2 = arith.muli %add3A, %mul3A_1 : i32
    "tpu.region"() ({
      %run_scoped3A = tpu.sem_alloc : memref<!tpu.dma_semaphore, #tpu.memory_space<semaphore_mem>>
      %dma_start3A_13 = tpu.memref_slice %arg3[%mul3A_2] : memref<2048xi32, #tpu.memory_space<hbm>> -> memref<64xi32, #tpu.memory_space<hbm>>
      %dma_start3A_14 = tpu.memref_slice %arg3[%mul3A_2] : memref<2048xi32, #tpu.memory_space<hbm>> -> memref<64xi32, #tpu.memory_space<hbm>>
      tpu.enqueue_dma source(%dma_start3A_14 : memref<64xi32, #tpu.memory_space<hbm>>) target(%arg6 : memref<64xi32, #tpu.memory_space<vmem>>) target_semaphore(%run_scoped3A : memref<!tpu.dma_semaphore, #tpu.memory_space<semaphore_mem>>)
      %dma_wait3A_15 = tpu.memref_slice %arg3[%mul3A_2] : memref<2048xi32, #tpu.memory_space<hbm>> -> memref<64xi32, #tpu.memory_space<hbm>>
      %dma_wait3A_16 = tpu.memref_slice %arg3[%mul3A_2] : memref<2048xi32, #tpu.memory_space<hbm>> -> memref<64xi32, #tpu.memory_space<hbm>>
      tpu.wait_dma2 semaphore(%run_scoped3A : memref<!tpu.dma_semaphore, #tpu.memory_space<semaphore_mem>>) src(%dma_wait3A_16 : memref<64xi32, #tpu.memory_space<hbm>>) dst(%arg6 : memref<64xi32, #tpu.memory_space<vmem>>)
      tpu.yield
    }) : () -> ()
    "tpu.region"() ({
      %run_scoped3A = tpu.sem_alloc : memref<!tpu.dma_semaphore, #tpu.memory_space<semaphore_mem>>
      %dma_start3A_13 = tpu.memref_slice %arg4[%mul3A_2] : memref<2048xi32, #tpu.memory_space<hbm>> -> memref<64xi32, #tpu.memory_space<hbm>>
      %dma_start3A_14 = tpu.memref_slice %arg4[%mul3A_2] : memref<2048xi32, #tpu.memory_space<hbm>> -> memref<64xi32, #tpu.memory_space<hbm>>
      tpu.enqueue_dma source(%dma_start3A_14 : memref<64xi32, #tpu.memory_space<hbm>>) target(%arg7 : memref<64xi32, #tpu.memory_space<vmem>>) target_semaphore(%run_scoped3A : memref<!tpu.dma_semaphore, #tpu.memory_space<semaphore_mem>>)
      %dma_wait3A_15 = tpu.memref_slice %arg4[%mul3A_2] : memref<2048xi32, #tpu.memory_space<hbm>> -> memref<64xi32, #tpu.memory_space<hbm>>
      %dma_wait3A_16 = tpu.memref_slice %arg4[%mul3A_2] : memref<2048xi32, #tpu.memory_space<hbm>> -> memref<64xi32, #tpu.memory_space<hbm>>
      tpu.wait_dma2 semaphore(%run_scoped3A : memref<!tpu.dma_semaphore, #tpu.memory_space<semaphore_mem>>) src(%dma_wait3A_16 : memref<64xi32, #tpu.memory_space<hbm>>) dst(%arg7 : memref<64xi32, #tpu.memory_space<vmem>>)
      tpu.yield
    }) : () -> ()
    "tpu.region"() ({
      %run_scoped3A = tpu.sem_alloc : memref<!tpu.dma_semaphore, #tpu.memory_space<semaphore_mem>>
      %dma_start3A_13 = arith.constant 0 : i32
      %dma_start3A_14 = tpu.memref_slice %arg2[%mul3A_2, %dma_start3A_13] : memref<2048x768xf32, #tpu.memory_space<hbm>> -> memref<64x768xf32, #tpu.memory_space<hbm>>
      %dma_start3A_15 = arith.constant 0 : i32
      %dma_start3A_16 = tpu.memref_slice %arg2[%mul3A_2, %dma_start3A_15] : memref<2048x768xf32, #tpu.memory_space<hbm>> -> memref<64x768xf32, #tpu.memory_space<hbm>>
      tpu.enqueue_dma source(%dma_start3A_16 : memref<64x768xf32, #tpu.memory_space<hbm>>) target(%arg8 : memref<64x768xf32, #tpu.memory_space<vmem>>) target_semaphore(%run_scoped3A : memref<!tpu.dma_semaphore, #tpu.memory_space<semaphore_mem>>)
      %dma_wait3A_17 = arith.constant 0 : i32
      %dma_wait3A_18 = tpu.memref_slice %arg2[%mul3A_2, %dma_wait3A_17] : memref<2048x768xf32, #tpu.memory_space<hbm>> -> memref<64x768xf32, #tpu.memory_space<hbm>>
      %dma_wait3A_19 = arith.constant 0 : i32
      %dma_wait3A_20 = tpu.memref_slice %arg2[%mul3A_2, %dma_wait3A_19] : memref<2048x768xf32, #tpu.memory_space<hbm>> -> memref<64x768xf32, #tpu.memory_space<hbm>>
      tpu.wait_dma2 semaphore(%run_scoped3A : memref<!tpu.dma_semaphore, #tpu.memory_space<semaphore_mem>>) src(%dma_wait3A_20 : memref<64x768xf32, #tpu.memory_space<hbm>>) dst(%arg8 : memref<64x768xf32, #tpu.memory_space<vmem>>)
      tpu.yield
    }) : () -> ()
    %dma_start3A = arith.constant 0 : i32
    %dma_start3A_3 = arith.constant 0 : i32
    %dma_start3A_4 = tpu.memref_slice %arg5[%dma_start3A, %dma_start3A_3] : memref<8192x768xf32, #tpu.memory_space<hbm>> -> memref<8192x768xf32, #tpu.memory_space<hbm>>
    tpu.enqueue_indirect_dma source(%arg8 : memref<64x768xf32, #tpu.memory_space<vmem>>) target(%dma_start3A_4 : memref<8192x768xf32, #tpu.memory_space<hbm>>) offsets(%arg6 : memref<64xi32, #tpu.memory_space<vmem>>) semaphore(%arg9 : memref<!tpu.dma_semaphore, #tpu.memory_space<semaphore_mem>>)
    %dma_start3A_5 = arith.constant 0 : i32
    %dma_start3A_6 = arith.constant 0 : i32
    %dma_start3A_7 = tpu.memref_slice %arg5[%dma_start3A_5, %dma_start3A_6] : memref<8192x768xf32, #tpu.memory_space<hbm>> -> memref<8192x768xf32, #tpu.memory_space<hbm>>
    tpu.enqueue_indirect_dma source(%arg8 : memref<64x768xf32, #tpu.memory_space<vmem>>) target(%dma_start3A_7 : memref<8192x768xf32, #tpu.memory_space<hbm>>) offsets(%arg7 : memref<64xi32, #tpu.memory_space<vmem>>) semaphore(%arg10 : memref<!tpu.dma_semaphore, #tpu.memory_space<semaphore_mem>>)
    %dma_wait3A = arith.constant 0 : i32
    %dma_wait3A_8 = arith.constant 0 : i32
    %dma_wait3A_9 = tpu.memref_slice %arg5[%dma_wait3A, %dma_wait3A_8] : memref<8192x768xf32, #tpu.memory_space<hbm>> -> memref<8192x768xf32, #tpu.memory_space<hbm>>
    tpu.wait_indirect_dma semaphore(%arg9 : memref<!tpu.dma_semaphore, #tpu.memory_space<semaphore_mem>>) src(%arg8 : memref<64x768xf32, #tpu.memory_space<vmem>>) dst(%dma_wait3A_9 : memref<8192x768xf32, #tpu.memory_space<hbm>>)
    %dma_wait3A_10 = arith.constant 0 : i32
    %dma_wait3A_11 = arith.constant 0 : i32
    %dma_wait3A_12 = tpu.memref_slice %arg5[%dma_wait3A_10, %dma_wait3A_11] : memref<8192x768xf32, #tpu.memory_space<hbm>> -> memref<8192x768xf32, #tpu.memory_space<hbm>>
    tpu.wait_indirect_dma semaphore(%arg10 : memref<!tpu.dma_semaphore, #tpu.memory_space<semaphore_mem>>) src(%arg8 : memref<64x768xf32, #tpu.memory_space<vmem>>) dst(%dma_wait3A_12 : memref<8192x768xf32, #tpu.memory_space<hbm>>)
    return
  }
}

module attributes {stable_mosaic.version = 14 : i64} {
  func.func @_k3_body(%arg0: i32, %arg1: memref<128xi32, #tpu.memory_space<smem>>, %arg2: memref<512x768xf32, #tpu.memory_space<vmem>>, %arg3: memref<1x768x256xf32, #tpu.memory_space<vmem>>, %arg4: memref<1x768x256xf32, #tpu.memory_space<vmem>>, %arg5: memref<1x256x768xf32, #tpu.memory_space<vmem>>, %arg6: memref<1x768x256xf32, #tpu.memory_space<vmem>>, %arg7: memref<1x768x256xf32, #tpu.memory_space<vmem>>, %arg8: memref<1x256x768xf32, #tpu.memory_space<vmem>>, %arg9: memref<512x768xf32, #tpu.memory_space<vmem>>) attributes {dimension_semantics = [#tpu.dimension_semantics<arbitrary>], iteration_bounds = array<i64: 16>, scalar_prefetch = 1 : i64, scratch_operands = 0 : i64, tpu.core_type = #tpu.core_type<tc>, window_params = [{transform_indices = @transform_0, window_bounds = array<i64: 512, 768>}, {transform_indices = @transform_1, window_bounds = array<i64: 1, 768, 256>}, {transform_indices = @transform_2, window_bounds = array<i64: 1, 768, 256>}, {transform_indices = @transform_3, window_bounds = array<i64: 1, 256, 768>}, {transform_indices = @transform_4, window_bounds = array<i64: 1, 768, 256>}, {transform_indices = @transform_5, window_bounds = array<i64: 1, 768, 256>}, {transform_indices = @transform_6, window_bounds = array<i64: 1, 256, 768>}, {transform_indices = @transform_7, window_bounds = array<i64: 512, 768>}]} {
    %get3A = arith.constant 127 : index
    %get3A_0 = memref.load %arg1[%get3A] : memref<128xi32, #tpu.memory_space<smem>>
    %mul3A = arith.constant 2 : i32
    %mul3A_1 = arith.muli %mul3A, %arg0 : i32
    %add3A = arith.constant 0 : i32
    %add3A_2 = arith.addi %mul3A_1, %add3A : i32
    %lt3A = arith.cmpi slt, %add3A_2, %get3A_0 : i32
    %convert_element_type3A = arith.extui %lt3A : i1 to i32
    %cond3A = arith.constant 0 : i32
    %cond3A_3 = arith.cmpi ne, %convert_element_type3A, %cond3A : i32
    scf.if %cond3A_3 {
      %get3A_12 = arith.constant 0 : index
      %get3A_13 = arith.constant 0 : index
      %get3A_14 = vector.load %arg2[%get3A_12, %get3A_13] : memref<512x768xf32, #tpu.memory_space<vmem>>, vector<256x768xf32>
      %get3A_15 = arith.constant 0 : index
      %get3A_16 = arith.constant 0 : index
      %get3A_17 = arith.constant 0 : index
      %get3A_18 = vector.load %arg3[%get3A_15, %get3A_16, %get3A_17] : memref<1x768x256xf32, #tpu.memory_space<vmem>>, vector<1x768x256xf32>
      %get3A_19 = vector.shape_cast %get3A_18 : vector<1x768x256xf32> to vector<768x256xf32>
      %dot_general3A = arith.constant dense<0.000000e+00> : vector<256x256xf32>
      %dot_general3A_20 = tpu.matmul %get3A_14, %get3A_19, %dot_general3A {dimension_numbers = #tpu.dot_dimension_numbers<[1], [0], [0], [1], [0, 0, 1, 1], [], []>, transpose_lhs_hint = false} : vector<256x768xf32>, vector<768x256xf32>, vector<256x256xf32> -> vector<256x256xf32>
      %get3A_21 = arith.constant 0 : index
      %get3A_22 = arith.constant 0 : index
      %get3A_23 = arith.constant 0 : index
      %get3A_24 = vector.load %arg4[%get3A_21, %get3A_22, %get3A_23] : memref<1x768x256xf32, #tpu.memory_space<vmem>>, vector<1x768x256xf32>
      %get3A_25 = vector.shape_cast %get3A_24 : vector<1x768x256xf32> to vector<768x256xf32>
      %dot_general3A_26 = arith.constant dense<0.000000e+00> : vector<256x256xf32>
      %dot_general3A_27 = tpu.matmul %get3A_14, %get3A_25, %dot_general3A_26 {dimension_numbers = #tpu.dot_dimension_numbers<[1], [0], [0], [1], [0, 0, 1, 1], [], []>, transpose_lhs_hint = false} : vector<256x768xf32>, vector<768x256xf32>, vector<256x256xf32> -> vector<256x256xf32>
      %logistic3A = arith.negf %dot_general3A_20 : vector<256x256xf32>
      %logistic3A_28 = math.exp %logistic3A : vector<256x256xf32>
      %logistic3A_29 = arith.constant 1.000000e+00 : f32
      %logistic3A_30 = vector.broadcast %logistic3A_29 : f32 to vector<256x256xf32>
      %logistic3A_31 = arith.addf %logistic3A_30, %logistic3A_28 : vector<256x256xf32>
      %logistic3A_32 = arith.divf %logistic3A_30, %logistic3A_31 : vector<256x256xf32>
      %mul3A_33 = arith.mulf %dot_general3A_20, %logistic3A_32 : vector<256x256xf32>
      %mul3A_34 = arith.mulf %mul3A_33, %dot_general3A_27 : vector<256x256xf32>
      %get3A_35 = arith.constant 0 : index
      %get3A_36 = arith.constant 0 : index
      %get3A_37 = arith.constant 0 : index
      %get3A_38 = vector.load %arg5[%get3A_35, %get3A_36, %get3A_37] : memref<1x256x768xf32, #tpu.memory_space<vmem>>, vector<1x256x768xf32>
      %get3A_39 = vector.shape_cast %get3A_38 : vector<1x256x768xf32> to vector<256x768xf32>
      %dot_general3A_40 = arith.constant dense<0.000000e+00> : vector<256x768xf32>
      %dot_general3A_41 = tpu.matmul %mul3A_34, %get3A_39, %dot_general3A_40 {dimension_numbers = #tpu.dot_dimension_numbers<[1], [0], [0], [1], [0, 0, 1, 1], [], []>, transpose_lhs_hint = false} : vector<256x256xf32>, vector<256x768xf32>, vector<256x768xf32> -> vector<256x768xf32>
      %swap3A = arith.constant 0 : index
      %swap3A_42 = arith.constant 0 : index
      %swap3A_43 = vector.load %arg9[%swap3A, %swap3A_42] : memref<512x768xf32, #tpu.memory_space<vmem>>, vector<256x768xf32>
      tpu.vector_store %arg9[%swap3A, %swap3A_42], %dot_general3A_41 {strides = array<i32>} : memref<512x768xf32, #tpu.memory_space<vmem>>, vector<256x768xf32>,
    } else {
    }
    %mul3A_4 = arith.constant 2 : i32
    %mul3A_5 = arith.muli %mul3A_4, %arg0 : i32
    %add3A_6 = arith.constant 1 : i32
    %add3A_7 = arith.addi %mul3A_5, %add3A_6 : i32
    %lt3A_8 = arith.cmpi slt, %add3A_7, %get3A_0 : i32
    %convert_element_type3A_9 = arith.extui %lt3A_8 : i1 to i32
    %cond3A_10 = arith.constant 0 : i32
    %cond3A_11 = arith.cmpi ne, %convert_element_type3A_9, %cond3A_10 : i32
    scf.if %cond3A_11 {
      %get3A_12 = arith.constant 256 : index
      %get3A_13 = arith.constant 0 : index
      %get3A_14 = vector.load %arg2[%get3A_12, %get3A_13] : memref<512x768xf32, #tpu.memory_space<vmem>>, vector<256x768xf32>
      %get3A_15 = arith.constant 0 : index
      %get3A_16 = arith.constant 0 : index
      %get3A_17 = arith.constant 0 : index
      %get3A_18 = vector.load %arg6[%get3A_15, %get3A_16, %get3A_17] : memref<1x768x256xf32, #tpu.memory_space<vmem>>, vector<1x768x256xf32>
      %get3A_19 = vector.shape_cast %get3A_18 : vector<1x768x256xf32> to vector<768x256xf32>
      %dot_general3A = arith.constant dense<0.000000e+00> : vector<256x256xf32>
      %dot_general3A_20 = tpu.matmul %get3A_14, %get3A_19, %dot_general3A {dimension_numbers = #tpu.dot_dimension_numbers<[1], [0], [0], [1], [0, 0, 1, 1], [], []>, transpose_lhs_hint = false} : vector<256x768xf32>, vector<768x256xf32>, vector<256x256xf32> -> vector<256x256xf32>
      %get3A_21 = arith.constant 0 : index
      %get3A_22 = arith.constant 0 : index
      %get3A_23 = arith.constant 0 : index
      %get3A_24 = vector.load %arg7[%get3A_21, %get3A_22, %get3A_23] : memref<1x768x256xf32, #tpu.memory_space<vmem>>, vector<1x768x256xf32>
      %get3A_25 = vector.shape_cast %get3A_24 : vector<1x768x256xf32> to vector<768x256xf32>
      %dot_general3A_26 = arith.constant dense<0.000000e+00> : vector<256x256xf32>
      %dot_general3A_27 = tpu.matmul %get3A_14, %get3A_25, %dot_general3A_26 {dimension_numbers = #tpu.dot_dimension_numbers<[1], [0], [0], [1], [0, 0, 1, 1], [], []>, transpose_lhs_hint = false} : vector<256x768xf32>, vector<768x256xf32>, vector<256x256xf32> -> vector<256x256xf32>
      %logistic3A = arith.negf %dot_general3A_20 : vector<256x256xf32>
      %logistic3A_28 = math.exp %logistic3A : vector<256x256xf32>
      %logistic3A_29 = arith.constant 1.000000e+00 : f32
      %logistic3A_30 = vector.broadcast %logistic3A_29 : f32 to vector<256x256xf32>
      %logistic3A_31 = arith.addf %logistic3A_30, %logistic3A_28 : vector<256x256xf32>
      %logistic3A_32 = arith.divf %logistic3A_30, %logistic3A_31 : vector<256x256xf32>
      %mul3A_33 = arith.mulf %dot_general3A_20, %logistic3A_32 : vector<256x256xf32>
      %mul3A_34 = arith.mulf %mul3A_33, %dot_general3A_27 : vector<256x256xf32>
      %get3A_35 = arith.constant 0 : index
      %get3A_36 = arith.constant 0 : index
      %get3A_37 = arith.constant 0 : index
      %get3A_38 = vector.load %arg8[%get3A_35, %get3A_36, %get3A_37] : memref<1x256x768xf32, #tpu.memory_space<vmem>>, vector<1x256x768xf32>
      %get3A_39 = vector.shape_cast %get3A_38 : vector<1x256x768xf32> to vector<256x768xf32>
      %dot_general3A_40 = arith.constant dense<0.000000e+00> : vector<256x768xf32>
      %dot_general3A_41 = tpu.matmul %mul3A_34, %get3A_39, %dot_general3A_40 {dimension_numbers = #tpu.dot_dimension_numbers<[1], [0], [0], [1], [0, 0, 1, 1], [], []>, transpose_lhs_hint = false} : vector<256x256xf32>, vector<256x768xf32>, vector<256x768xf32> -> vector<256x768xf32>
      %swap3A = arith.constant 256 : index
      %swap3A_42 = arith.constant 0 : index
      %swap3A_43 = vector.load %arg9[%swap3A, %swap3A_42] : memref<512x768xf32, #tpu.memory_space<vmem>>, vector<256x768xf32>
      tpu.vector_store %arg9[%swap3A, %swap3A_42], %dot_general3A_41 {strides = array<i32>} : memref<512x768xf32, #tpu.memory_space<vmem>>, vector<256x768xf32>,
    } else {
    }
    return
  }
  func.func @transform_0(%arg0: i32, %arg1: memref<128xi32, #tpu.memory_space<smem>>) -> (i32, i32) {
    %c0_i32 = arith.constant 0 : i32
    %c0_i32_0 = arith.constant 0 : i32
    return %arg0, %c0_i32 : i32, i32
  }
  func.func @transform_1(%arg0: i32, %arg1: memref<128xi32, #tpu.memory_space<smem>>) -> (i32, i32, i32) {
    %mul3A = arith.constant 2 : i32
    %mul3A_0 = arith.muli %mul3A, %arg0 : i32
    %min3A = arith.constant 31 : i32
    %min3A_1 = arith.minsi %mul3A_0, %min3A : i32
    %get3A = arith.index_cast %min3A_1 : i32 to index
    %get3A_2 = memref.load %arg1[%get3A] : memref<128xi32, #tpu.memory_space<smem>>
    %c0_i32 = arith.constant 0 : i32
    %c0_i32_3 = arith.constant 0 : i32
    %c0_i32_4 = arith.constant 0 : i32
    return %get3A_2, %c0_i32, %c0_i32_3 : i32, i32, i32
  }
  func.func @transform_2(%arg0: i32, %arg1: memref<128xi32, #tpu.memory_space<smem>>) -> (i32, i32, i32) {
    %mul3A = arith.constant 2 : i32
    %mul3A_0 = arith.muli %mul3A, %arg0 : i32
    %min3A = arith.constant 31 : i32
    %min3A_1 = arith.minsi %mul3A_0, %min3A : i32
    %get3A = arith.index_cast %min3A_1 : i32 to index
    %get3A_2 = memref.load %arg1[%get3A] : memref<128xi32, #tpu.memory_space<smem>>
    %c0_i32 = arith.constant 0 : i32
    %c0_i32_3 = arith.constant 0 : i32
    %c0_i32_4 = arith.constant 0 : i32
    return %get3A_2, %c0_i32, %c0_i32_3 : i32, i32, i32
  }
  func.func @transform_3(%arg0: i32, %arg1: memref<128xi32, #tpu.memory_space<smem>>) -> (i32, i32, i32) {
    %mul3A = arith.constant 2 : i32
    %mul3A_0 = arith.muli %mul3A, %arg0 : i32
    %min3A = arith.constant 31 : i32
    %min3A_1 = arith.minsi %mul3A_0, %min3A : i32
    %get3A = arith.index_cast %min3A_1 : i32 to index
    %get3A_2 = memref.load %arg1[%get3A] : memref<128xi32, #tpu.memory_space<smem>>
    %c0_i32 = arith.constant 0 : i32
    %c0_i32_3 = arith.constant 0 : i32
    %c0_i32_4 = arith.constant 0 : i32
    return %get3A_2, %c0_i32, %c0_i32_3 : i32, i32, i32
  }
  func.func @transform_4(%arg0: i32, %arg1: memref<128xi32, #tpu.memory_space<smem>>) -> (i32, i32, i32) {
    %mul3A = arith.constant 2 : i32
    %mul3A_0 = arith.muli %mul3A, %arg0 : i32
    %add3A = arith.constant 1 : i32
    %add3A_1 = arith.addi %mul3A_0, %add3A : i32
    %min3A = arith.constant 31 : i32
    %min3A_2 = arith.minsi %add3A_1, %min3A : i32
    %get3A = arith.index_cast %min3A_2 : i32 to index
    %get3A_3 = memref.load %arg1[%get3A] : memref<128xi32, #tpu.memory_space<smem>>
    %c0_i32 = arith.constant 0 : i32
    %c0_i32_4 = arith.constant 0 : i32
    %c0_i32_5 = arith.constant 0 : i32
    return %get3A_3, %c0_i32, %c0_i32_4 : i32, i32, i32
  }
  func.func @transform_5(%arg0: i32, %arg1: memref<128xi32, #tpu.memory_space<smem>>) -> (i32, i32, i32) {
    %mul3A = arith.constant 2 : i32
    %mul3A_0 = arith.muli %mul3A, %arg0 : i32
    %add3A = arith.constant 1 : i32
    %add3A_1 = arith.addi %mul3A_0, %add3A : i32
    %min3A = arith.constant 31 : i32
    %min3A_2 = arith.minsi %add3A_1, %min3A : i32
    %get3A = arith.index_cast %min3A_2 : i32 to index
    %get3A_3 = memref.load %arg1[%get3A] : memref<128xi32, #tpu.memory_space<smem>>
    %c0_i32 = arith.constant 0 : i32
    %c0_i32_4 = arith.constant 0 : i32
    %c0_i32_5 = arith.constant 0 : i32
    return %get3A_3, %c0_i32, %c0_i32_4 : i32, i32, i32
  }
  func.func @transform_6(%arg0: i32, %arg1: memref<128xi32, #tpu.memory_space<smem>>) -> (i32, i32, i32) {
    %mul3A = arith.constant 2 : i32
    %mul3A_0 = arith.muli %mul3A, %arg0 : i32
    %add3A = arith.constant 1 : i32
    %add3A_1 = arith.addi %mul3A_0, %add3A : i32
    %min3A = arith.constant 31 : i32
    %min3A_2 = arith.minsi %add3A_1, %min3A : i32
    %get3A = arith.index_cast %min3A_2 : i32 to index
    %get3A_3 = memref.load %arg1[%get3A] : memref<128xi32, #tpu.memory_space<smem>>
    %c0_i32 = arith.constant 0 : i32
    %c0_i32_4 = arith.constant 0 : i32
    %c0_i32_5 = arith.constant 0 : i32
    return %get3A_3, %c0_i32, %c0_i32_4 : i32, i32, i32
  }
  func.func @transform_7(%arg0: i32, %arg1: memref<128xi32, #tpu.memory_space<smem>>) -> (i32, i32) {
    %c0_i32 = arith.constant 0 : i32
    %c0_i32_0 = arith.constant 0 : i32
    return %arg0, %c0_i32 : i32, i32
  }
}

module attributes {stable_mosaic.version = 14 : i64} {
  func.func @_k1_body(%arg0: memref<2048x768xf32, #tpu.memory_space<vmem>>, %arg1: memref<16x768xf32, #tpu.memory_space<vmem>>, %arg2: memref<2048xi32, #tpu.memory_space<vmem>>, %arg3: memref<2048xi32, #tpu.memory_space<vmem>>, %arg4: memref<2048xf32, #tpu.memory_space<vmem>>, %arg5: memref<2048xf32, #tpu.memory_space<vmem>>, %arg6: memref<128xi32, #tpu.memory_space<vmem>>) attributes {dimension_semantics = [], scalar_prefetch = 0 : i64, scratch_operands = 0 : i64, tpu.core_type = #tpu.core_type<tc>} {
    %get3A = arith.constant 0 : index
    %get3A_0 = arith.constant 0 : index
    %get3A_1 = vector.load %arg0[%get3A, %get3A_0] : memref<2048x768xf32, #tpu.memory_space<vmem>>, vector<2048x768xf32>
    %get3A_2 = arith.constant 0 : index
    %get3A_3 = arith.constant 0 : index
    %get3A_4 = vector.load %arg1[%get3A_2, %get3A_3] : memref<16x768xf32, #tpu.memory_space<vmem>>, vector<16x768xf32>
    %dot_general3A = arith.constant dense<0.000000e+00> : vector<2048x16xf32>
    %dot_general3A_5 = tpu.matmul %get3A_1, %get3A_4, %dot_general3A {dimension_numbers = #tpu.dot_dimension_numbers<[1], [1], [0], [0], [0, 0, 1, 0], [], []>, transpose_lhs_hint = false} : vector<2048x768xf32>, vector<16x768xf32>, vector<2048x16xf32> -> vector<2048x16xf32>
    %logistic3A = arith.negf %dot_general3A_5 : vector<2048x16xf32>
    %logistic3A_6 = math.exp %logistic3A : vector<2048x16xf32>
    %logistic3A_7 = arith.constant 1.000000e+00 : f32
    %logistic3A_8 = vector.broadcast %logistic3A_7 : f32 to vector<2048x16xf32>
    %logistic3A_9 = arith.addf %logistic3A_8, %logistic3A_6 : vector<2048x16xf32>
    %logistic3A_10 = arith.divf %logistic3A_8, %logistic3A_9 : vector<2048x16xf32>
    %iota3A = tpu.iota {dimensions = array<i32: 1>} : vector<2048x16xi32>
    %reduce_max3A = arith.constant dense<0xFF800000> : vector<2048xf32>
    %reduce_max3A_11 = vector.multi_reduction <maximumf>, %logistic3A_10, %reduce_max3A [1] : vector<2048x16xf32> to vector<2048xf32>
    %broadcast_in_dim3A = vector.shape_cast %reduce_max3A_11 : vector<2048xf32> to vector<2048x1xf32>
    %eq3A = vector.broadcast %broadcast_in_dim3A : vector<2048x1xf32> to vector<2048x16xf32>
    %eq3A_12 = arith.cmpf oeq, %logistic3A_10, %eq3A : vector<2048x16xf32>
    %jit3A = arith.constant 16 : i32
    %broadcast_in_dim3A_13 = vector.broadcast %jit3A : i32 to vector<2048x16xi32>
    %select_n3A = arith.select %eq3A_12, %iota3A, %broadcast_in_dim3A_13 : vector<2048x16xi1>, vector<2048x16xi32>
    %reduce_min3A = arith.constant dense<2147483647> : vector<2048xi32>
    %reduce_min3A_14 = vector.multi_reduction <minsi>, %select_n3A, %reduce_min3A [1] : vector<2048x16xi32> to vector<2048xi32>
    %broadcast_in_dim3A_15 = vector.shape_cast %reduce_min3A_14 : vector<2048xi32> to vector<2048x1xi32>
    %eq3A_16 = vector.broadcast %broadcast_in_dim3A_15 : vector<2048x1xi32> to vector<2048x16xi32>
    %eq3A_17 = arith.cmpi eq, %iota3A, %eq3A_16 : vector<2048x16xi32>
    %jit3A_18 = arith.constant 0xFF800000 : f32
    %broadcast_in_dim3A_19 = vector.broadcast %jit3A_18 : f32 to vector<2048x16xf32>
    %select_n3A_20 = arith.select %eq3A_17, %broadcast_in_dim3A_19, %logistic3A_10 : vector<2048x16xi1>, vector<2048x16xf32>
    %reduce_max3A_21 = arith.constant dense<0xFF800000> : vector<2048xf32>
    %reduce_max3A_22 = vector.multi_reduction <maximumf>, %select_n3A_20, %reduce_max3A_21 [1] : vector<2048x16xf32> to vector<2048xf32>
    %broadcast_in_dim3A_23 = vector.shape_cast %reduce_max3A_22 : vector<2048xf32> to vector<2048x1xf32>
    %eq3A_24 = vector.broadcast %broadcast_in_dim3A_23 : vector<2048x1xf32> to vector<2048x16xf32>
    %eq3A_25 = arith.cmpf oeq, %select_n3A_20, %eq3A_24 : vector<2048x16xf32>
    %jit3A_26 = arith.constant 16 : i32
    %broadcast_in_dim3A_27 = vector.broadcast %jit3A_26 : i32 to vector<2048x16xi32>
    %select_n3A_28 = arith.select %eq3A_25, %iota3A, %broadcast_in_dim3A_27 : vector<2048x16xi1>, vector<2048x16xi32>
    %reduce_min3A_29 = arith.constant dense<2147483647> : vector<2048xi32>
    %reduce_min3A_30 = vector.multi_reduction <minsi>, %select_n3A_28, %reduce_min3A_29 [1] : vector<2048x16xi32> to vector<2048xi32>
    %broadcast_in_dim3A_31 = vector.shape_cast %reduce_min3A_30 : vector<2048xi32> to vector<2048x1xi32>
    %add3A = arith.addf %broadcast_in_dim3A, %broadcast_in_dim3A_23 : vector<2048x1xf32>
    %add3A_32 = arith.constant 9.99999968E-21 : f32
    %add3A_33 = vector.broadcast %add3A_32 : f32 to vector<2048x1xf32>
    %add3A_34 = arith.addf %add3A, %add3A_33 : vector<2048x1xf32>
    %div3A = arith.divf %broadcast_in_dim3A, %add3A_34 : vector<2048x1xf32>
    %div3A_35 = arith.divf %broadcast_in_dim3A_23, %add3A_34 : vector<2048x1xf32>
    %eq3A_36 = vector.broadcast %broadcast_in_dim3A_15 : vector<2048x1xi32> to vector<2048x16xi32>
    %eq3A_37 = arith.cmpi eq, %iota3A, %eq3A_36 : vector<2048x16xi32>
    %convert_element_type3A = arith.extui %eq3A_37 : vector<2048x16xi1> to vector<2048x16xi32>
    %convert_element_type3A_38 = arith.sitofp %convert_element_type3A : vector<2048x16xi32> to vector<2048x16xf32>
    %eq3A_39 = vector.broadcast %broadcast_in_dim3A_31 : vector<2048x1xi32> to vector<2048x16xi32>
    %eq3A_40 = arith.cmpi eq, %iota3A, %eq3A_39 : vector<2048x16xi32>
    %convert_element_type3A_41 = arith.extui %eq3A_40 : vector<2048x16xi1> to vector<2048x16xi32>
    %convert_element_type3A_42 = arith.sitofp %convert_element_type3A_41 : vector<2048x16xi32> to vector<2048x16xf32>
    %add3A_43 = arith.addf %convert_element_type3A_38, %convert_element_type3A_42 : vector<2048x16xf32>
    %iota3A_44 = tpu.iota {dimensions = array<i32: 0>} : vector<2048x2048xi32>
    %iota3A_45 = tpu.iota {dimensions = array<i32: 1>} : vector<2048x2048xi32>
    %lt3A = arith.cmpi slt, %iota3A_45, %iota3A_44 : vector<2048x2048xi32>
    %convert_element_type3A_46 = arith.extui %lt3A : vector<2048x2048xi1> to vector<2048x2048xi32>
    %convert_element_type3A_47 = arith.sitofp %convert_element_type3A_46 : vector<2048x2048xi32> to vector<2048x2048xf32>
    %dot_general3A_48 = arith.constant dense<0.000000e+00> : vector<2048x16xf32>
    %dot_general3A_49 = tpu.matmul %convert_element_type3A_47, %add3A_43, %dot_general3A_48 {dimension_numbers = #tpu.dot_dimension_numbers<[1], [0], [0], [1], [0, 0, 1, 1], [], []>, transpose_lhs_hint = false} : vector<2048x2048xf32>, vector<2048x16xf32>, vector<2048x16xf32> -> vector<2048x16xf32>
    %reduce_sum3A = arith.constant dense<0.000000e+00> : vector<16xf32>
    %reduce_sum3A_50 = vector.multi_reduction <add>, %add3A_43, %reduce_sum3A [0] : vector<2048x16xf32> to vector<16xf32>
    %broadcast_in_dim3A_51 = vector.shape_cast %reduce_sum3A_50 : vector<16xf32> to vector<1x16xf32>
    %add3A_52 = arith.constant 2.550000e+02 : f32
    %add3A_53 = vector.broadcast %add3A_52 : f32 to vector<1x16xf32>
    %add3A_54 = arith.addf %broadcast_in_dim3A_51, %add3A_53 : vector<1x16xf32>
    %div3A_55 = arith.constant 2.560000e+02 : f32
    %div3A_56 = vector.broadcast %div3A_55 : f32 to vector<1x16xf32>
    %div3A_57 = arith.divf %add3A_54, %div3A_56 : vector<1x16xf32>
    %floor3A = math.floor %div3A_57 : vector<1x16xf32>
    %iota3A_58 = tpu.iota {dimensions = array<i32: 0>} : vector<16x16xi32>
    %iota3A_59 = tpu.iota {dimensions = array<i32: 1>} : vector<16x16xi32>
    %lt3A_60 = arith.cmpi slt, %iota3A_58, %iota3A_59 : vector<16x16xi32>
    %convert_element_type3A_61 = arith.extui %lt3A_60 : vector<16x16xi1> to vector<16x16xi32>
    %convert_element_type3A_62 = arith.sitofp %convert_element_type3A_61 : vector<16x16xi32> to vector<16x16xf32>
    %dot_general3A_63 = arith.constant dense<0.000000e+00> : vector<1x16xf32>
    %dot_general3A_64 = tpu.matmul %floor3A, %convert_element_type3A_62, %dot_general3A_63 {dimension_numbers = #tpu.dot_dimension_numbers<[1], [0], [0], [1], [0, 0, 1, 1], [], []>, transpose_lhs_hint = false} : vector<1x16xf32>, vector<16x16xf32>, vector<1x16xf32> -> vector<1x16xf32>
    %mul3A = arith.constant 2.560000e+02 : f32
    %mul3A_65 = vector.broadcast %mul3A : f32 to vector<1x16xf32>
    %mul3A_66 = arith.mulf %mul3A_65, %dot_general3A_64 : vector<1x16xf32>
    %add3A_67 = vector.broadcast %mul3A_66 : vector<1x16xf32> to vector<2048x16xf32>
    %add3A_68 = arith.addf %add3A_67, %dot_general3A_49 : vector<2048x16xf32>
    %mul3A_69 = arith.mulf %convert_element_type3A_38, %add3A_68 : vector<2048x16xf32>
    %reduce_sum3A_70 = arith.constant dense<0.000000e+00> : vector<2048xf32>
    %reduce_sum3A_71 = vector.multi_reduction <add>, %mul3A_69, %reduce_sum3A_70 [1] : vector<2048x16xf32> to vector<2048xf32>
    %broadcast_in_dim3A_72 = vector.shape_cast %reduce_sum3A_71 : vector<2048xf32> to vector<2048x1xf32>
    %mul3A_73 = arith.mulf %convert_element_type3A_42, %add3A_68 : vector<2048x16xf32>
    %reduce_sum3A_74 = arith.constant dense<0.000000e+00> : vector<2048xf32>
    %reduce_sum3A_75 = vector.multi_reduction <add>, %mul3A_73, %reduce_sum3A_74 [1] : vector<2048x16xf32> to vector<2048xf32>
    %broadcast_in_dim3A_76 = vector.shape_cast %reduce_sum3A_75 : vector<2048xf32> to vector<2048x1xf32>
    %convert_element_type3A_77 = arith.fptosi %broadcast_in_dim3A_72 : vector<2048x1xf32> to vector<2048x1xi32>
    %transpose3A = tpu.transpose %convert_element_type3A_77, [1, 0] : vector<2048x1xi32> -> vector<1x2048xi32>
    %reshape3A = vector.shape_cast %transpose3A : vector<1x2048xi32> to vector<2048xi32>
    %swap3A = arith.constant 0 : index
    %swap3A_78 = vector.load %arg2[%swap3A] : memref<2048xi32, #tpu.memory_space<vmem>>, vector<2048xi32>
    tpu.vector_store %arg2[%swap3A], %reshape3A {strides = array<i32>} : memref<2048xi32, #tpu.memory_space<vmem>>, vector<2048xi32>,
    %convert_element_type3A_79 = arith.fptosi %broadcast_in_dim3A_76 : vector<2048x1xf32> to vector<2048x1xi32>
    %transpose3A_80 = tpu.transpose %convert_element_type3A_79, [1, 0] : vector<2048x1xi32> -> vector<1x2048xi32>
    %reshape3A_81 = vector.shape_cast %transpose3A_80 : vector<1x2048xi32> to vector<2048xi32>
    %swap3A_82 = arith.constant 0 : index
    %swap3A_83 = vector.load %arg3[%swap3A_82] : memref<2048xi32, #tpu.memory_space<vmem>>, vector<2048xi32>
    tpu.vector_store %arg3[%swap3A_82], %reshape3A_81 {strides = array<i32>} : memref<2048xi32, #tpu.memory_space<vmem>>, vector<2048xi32>,
    %transpose3A_84 = tpu.transpose %div3A, [1, 0] : vector<2048x1xf32> -> vector<1x2048xf32>
    %reshape3A_85 = vector.shape_cast %transpose3A_84 : vector<1x2048xf32> to vector<2048xf32>
    %swap3A_86 = arith.constant 0 : index
    %swap3A_87 = vector.load %arg4[%swap3A_86] : memref<2048xf32, #tpu.memory_space<vmem>>, vector<2048xf32>
    tpu.vector_store %arg4[%swap3A_86], %reshape3A_85 {strides = array<i32>} : memref<2048xf32, #tpu.memory_space<vmem>>, vector<2048xf32>,
    %transpose3A_88 = tpu.transpose %div3A_35, [1, 0] : vector<2048x1xf32> -> vector<1x2048xf32>
    %reshape3A_89 = vector.shape_cast %transpose3A_88 : vector<1x2048xf32> to vector<2048xf32>
    %swap3A_90 = arith.constant 0 : index
    %swap3A_91 = vector.load %arg5[%swap3A_90] : memref<2048xf32, #tpu.memory_space<vmem>>, vector<2048xf32>
    tpu.vector_store %arg5[%swap3A_90], %reshape3A_89 {strides = array<i32>} : memref<2048xf32, #tpu.memory_space<vmem>>, vector<2048xf32>,
    %iota3A_92 = tpu.iota {dimensions = array<i32: 1>} : vector<1x128xi32>
    %convert_element_type3A_93 = arith.sitofp %iota3A_92 : vector<1x128xi32> to vector<1x128xf32>
    %transpose3A_94 = tpu.transpose %dot_general3A_64, [1, 0] : vector<1x16xf32> -> vector<16x1xf32>
    %le3A = vector.broadcast %transpose3A_94 : vector<16x1xf32> to vector<16x128xf32>
    %le3A_95 = vector.broadcast %convert_element_type3A_93 : vector<1x128xf32> to vector<16x128xf32>
    %le3A_96 = arith.cmpf ole, %le3A, %le3A_95 : vector<16x128xf32>
    %convert_element_type3A_97 = arith.extui %le3A_96 : vector<16x128xi1> to vector<16x128xi32>
    %convert_element_type3A_98 = arith.sitofp %convert_element_type3A_97 : vector<16x128xi32> to vector<16x128xf32>
    %reduce_sum3A_99 = arith.constant dense<0.000000e+00> : vector<128xf32>
    %reduce_sum3A_100 = vector.multi_reduction <add>, %convert_element_type3A_98, %reduce_sum3A_99 [0] : vector<16x128xf32> to vector<128xf32>
    %broadcast_in_dim3A_101 = vector.shape_cast %reduce_sum3A_100 : vector<128xf32> to vector<1x128xf32>
    %sub3A = arith.constant 1.000000e+00 : f32
    %sub3A_102 = vector.broadcast %sub3A : f32 to vector<1x128xf32>
    %sub3A_103 = arith.subf %broadcast_in_dim3A_101, %sub3A_102 : vector<1x128xf32>
    %reduce_sum3A_104 = arith.constant dense<0.000000e+00> : vector<1xf32>
    %reduce_sum3A_105 = vector.multi_reduction <add>, %floor3A, %reduce_sum3A_104 [1] : vector<1x16xf32> to vector<1xf32>
    %broadcast_in_dim3A_106 = vector.shape_cast %reduce_sum3A_105 : vector<1xf32> to vector<1x1xf32>
    %iota3A_107 = tpu.iota {dimensions = array<i32: 1>} : vector<1x128xi32>
    %eq3A_108 = arith.constant 127 : i32
    %eq3A_109 = vector.broadcast %eq3A_108 : i32 to vector<1x128xi32>
    %eq3A_110 = arith.cmpi eq, %iota3A_107, %eq3A_109 : vector<1x128xi32>
    %broadcast_in_dim3A_111 = vector.shape_cast %broadcast_in_dim3A_106 : vector<1x1xf32> to vector<1x1xf32>
    %broadcast_in_dim3A_112 = vector.broadcast %broadcast_in_dim3A_111 : vector<1x1xf32> to vector<1x128xf32>
    %select_n3A_113 = arith.select %eq3A_110, %broadcast_in_dim3A_112, %sub3A_103 : vector<1x128xi1>, vector<1x128xf32>
    %convert_element_type3A_114 = arith.fptosi %select_n3A_113 : vector<1x128xf32> to vector<1x128xi32>
    %reshape3A_115 = vector.shape_cast %convert_element_type3A_114 : vector<1x128xi32> to vector<128xi32>
    %swap3A_116 = arith.constant 0 : index
    %swap3A_117 = vector.load %arg6[%swap3A_116] : memref<128xi32, #tpu.memory_space<vmem>>, vector<128xi32>
    tpu.vector_store %arg6[%swap3A_116], %reshape3A_115 {strides = array<i32>} : memref<128xi32, #tpu.memory_space<vmem>>, vector<128xi32>,
    return
  }
}

</mosaic_0001>

<sc_bundles>
// kernel: kernel.6.cloned.1.call-start
scs
__scs_entry_jumppad:
0x0: {  	(pc) =	sbr.rel $0x88, $3  }
0x1: {  	(tag) =	ssettag $0x0;
	lr =	simm.s32 $0x1  }
0x2: {  	[smem:$0x3F9C] =	sst lr;
	_ =	strace $0xD0000000  }
0x3: {  	_ = 	snop  }
0x4: {  	_ = 	snop  }
0x5: {  	_ = 	snop  }
0x6: {  	_ = 	snop  }
0x7: {  	_ = 	snop  }
__scs_overlays_trampoline_lowered:
0x8: {  	[smem:$0x3FAB] =	sst s0  }
0x9: {  	[smem:$0x3FAC] =	sst s1  }
0xa: {  	[smem:$0x3FAD] =	sst s2  }
0xb: {  	[smem:$0x3FAE] =	sst s3  }
0xc: {  	[smem:$0x3FAF] =	sst s4  }
0xd: {  	[smem:$0x3FB0] =	sst s5  }
0xe: {  	[smem:$0x3FB1] =	sst s6  }
0xf: {  	[smem:$0x3FB2] =	sst s7  }
0x10: {  	[smem:$0x3FB3] =	sst s8  }
0x11: {  	[smem:$0x3FB4] =	sst s9;
	s0 =	simm.s32 @!p0 $0x0  }
0x12: {  	s1 =	sld [smem:$0x3F9A];
	s0 =	simm.s32 @p0 $0x1  }
0x13: {  	[smem:$0x3FB5] =	sst s0;
	s0 =	simm.s32 @!p1 $0x0  }
0x14: {  	s2 =	sld [smem:$0x3F99];
	s0 =	simm.s32 @p1 $0x1  }
0x15: {  	[smem:$0x3FB6] =	sst s0;
	s0 =	simm.s32 @!p2 $0x0  }
0x16: {  	s3 =	sld [smem:$0x3FDB];
	s0 =	simm.s32 @p2 $0x1  }
0x17: {  	s4 =	simm.s32 $0x1BF5;
	[smem:$0x3FB8] =	sst s0  }
0x18: {  	s0 =	sld [smem:$0x3F9B];
	_ =	swait.ge [sflag:s4], $0x0  }
0x19: {  	s7 =	sld [smem:$0x3F9C]  }
0x1a: {  	s8 =	sadd.s32 $0xFFFFE003, lr  }
0x1b: {  	s9 =	sadd.s32 $0xFFFFFEF7, lr;
	s5 =	simm.s32 $0xFFFFFFFF;
	p2 =	slt.u32 s8, $0xFFFFF086  }
0x1c: {  	p1 =	slt.u32 s9, $0xF7A;
	s5 =	simm.s32 @!p2 $0x0  }
0x1d: {  	s5 =	simm.s32 @p1 $0x1;
	p0 =	seq.s32 s7, s2  }
0x1e: {  	s7 =	smul.u32 @!p0 $0xF7A, s2;
	p2 =	seq.s32 @!p0 s5, $0x0  }
0x1f: {  	s9 =	smul.u32 $0xF7A, s1;
	s8 =	simm.s32 @!p0 $0x1BF5;
	p2 =	por !p2, p0  }
0x20: {  	[sflag:s8] =	ssyncset.s32 @!p0 $0xFFFFF086;
	s6 =	sadd.s32 @!p0 s3, s7;
	s7 =	simm.s32 @!p0 $0x108  }
0x21: {  	s3 =	sadd.s32 s3, s9;
	s6 =	sadd.s32 @!p0 $0x88, s6;
	s7 =	simm.s32 @p2 $0x1082  }
0x22: {  	[simem:s7], [sflag:s8] =	dma.local @!p0 [hbm:s6], $0xF7A  }
0x23: {  	s9 =	sor.u32 $0xD0000000, s2;
	s6 =	simm.s32 $0x108;
	_ =	swait.ge @!p0 [sflag:s8], $0x0  }
0x24: {  	s3 =	sadd.s32 $0x88, s3;
	s6 =	simm.s32 @!p1 $0x1082;
	[sflag:s4] =	ssyncset.s32 $0xFFFFF086  }
0x25: {  	[simem:s6], [sflag:s4] =	dma.local [hbm:s3], $0xF7A  }
0x26: {  	[smem:$0x3F9C] =	sst s1;
	(tag) =	ssettag s2;
	_ =	strace s9  }
0x27: {  	s1 =	sld [smem:$0x3FAC]  }
0x28: {  	s2 =	sld [smem:$0x3FAD]  }
0x29: {  	s4 =	sld [smem:$0x3FAF]  }
0x2a: {  	p0 =	seq.s32 s5, $0x0;
	s5 =	sld [smem:$0x3FB0]  }
0x2b: {  	s6 =	sld [smem:$0x3FB1]  }
0x2c: {  	s7 =	sld [smem:$0x3FB2]  }
0x2d: {  	s3 =	simm.s32 $0x108;
	s8 =	sld [smem:$0x3FB3]  }
0x2e: {  	s3 =	simm.s32 @!p0 $0x1082;
	s9 =	sld [smem:$0x3FB4]  }
0x2f: {  	lr =	sadd.s32 s0, s3;
	s0 =	sld [smem:$0x3FAB]  }
0x30: {  	s3 =	sld [smem:$0x3FAE]  }
0x31: {  	[smem:$0x3FB7] =	sst s10  }
0x32: {  	s10 =	sld [smem:$0x3FB5];
	_ =	sdelay $0x3  }
0x33: {  	p0 =	seq.s32 s10, $0x1;
	s10 =	sld [smem:$0x3FB7];
	_ =	sdelay $0x3  }
0x34: {  	[smem:$0x3FB7] =	sst s10  }
0x35: {  	s10 =	sld [smem:$0x3FB6];
	_ =	sdelay $0x3  }
0x36: {  	p1 =	seq.s32 s10, $0x1;
	s10 =	sld [smem:$0x3FB7];
	_ =	sdelay $0x3  }
0x37: {  	[smem:$0x3FB7] =	sst s10  }
0x38: {  	s10 =	sld [smem:$0x3FB8]  }
0x39: {  	_ = 	snop;
	(pc) =	sbr.ind lr, $3  }
0x3a: {  	_ = 	snop  }
0x3b: {  	_ = 	snop  }
0x3c: {  	p2 =	seq.s32 s10, $0x1;
	s10 =	sld [smem:$0x3FB7]  }
0x3d: {  	_ =	shalt  }
0x3e: {  	_ =	shalt  }
0x3f: {  	_ =	shalt  }
0x40: {  	_ =	shalt  }
0x41: {  	_ =	shalt  }
0x42: {  	_ =	shalt  }
0x43: {  	_ =	shalt  }
0x44: {  	_ =	shalt  }
0x45: {  	_ =	shalt  }
0x46: {  	_ =	shalt  }
0x47: {  	_ =	shalt  }
0x48: {  	_ =	shalt  }
0x49: {  	_ =	shalt  }
0x4a: {  	_ =	shalt  }
0x4b: {  	_ =	shalt  }
0x4c: {  	_ =	shalt  }
0x4d: {  	_ =	shalt  }
0x4e: {  	_ =	shalt  }
0x4f: {  	_ =	shalt  }
0x50: {  	_ =	shalt  }
0x51: {  	_ =	shalt  }
0x52: {  	_ =	shalt  }
0x53: {  	_ =	shalt  }
0x54: {  	_ =	shalt  }
0x55: {  	_ =	shalt  }
0x56: {  	_ =	shalt  }
0x57: {  	_ =	shalt  }
0x58: {  	_ =	shalt  }
0x59: {  	_ =	shalt  }
0x5a: {  	_ =	shalt  }
0x5b: {  	_ =	shalt  }
0x5c: {  	_ =	shalt  }
0x5d: {  	_ =	shalt  }
0x5e: {  	_ =	shalt  }
0x5f: {  	_ =	shalt  }
0x60: {  	_ =	shalt  }
0x61: {  	_ =	shalt  }
0x62: {  	_ =	shalt  }
0x63: {  	_ =	shalt  }
0x64: {  	_ =	shalt  }
0x65: {  	_ =	shalt  }
0x66: {  	_ =	shalt  }
0x67: {  	_ =	shalt  }
0x68: {  	_ =	shalt  }
0x69: {  	_ =	shalt  }
0x6a: {  	_ =	shalt  }
0x6b: {  	_ =	shalt  }
0x6c: {  	_ =	shalt  }
0x6d: {  	_ =	shalt  }
0x6e: {  	_ =	shalt  }
0x6f: {  	_ =	shalt  }
0x70: {  	_ =	shalt  }
0x71: {  	_ =	shalt  }
0x72: {  	_ =	shalt  }
0x73: {  	_ =	shalt  }
0x74: {  	_ =	shalt  }
0x75: {  	_ =	shalt  }
0x76: {  	_ =	shalt  }
0x77: {  	_ =	shalt  }
0x78: {  	_ =	shalt  }
0x79: {  	_ =	shalt  }
0x7a: {  	_ =	shalt  }
0x7b: {  	_ =	shalt  }
0x7c: {  	_ =	shalt  }
0x7d: {  	_ =	shalt  }
0x7e: {  	_ =	shalt  }
0x7f: {  	_ =	shalt  }
0x80: {  	_ =	shalt  }
0x81: {  	_ =	shalt  }
0x82: {  	_ =	shalt  }
0x83: {  	_ =	shalt  }
0x84: {  	_ =	shalt  }
0x85: {  	_ =	shalt  }
0x86: {  	_ =	shalt  }
0x87: {  	_ =	shalt  }
.Lfunc_end0:
.L_simem_size_0:
called_computation_lowered:
.L_overlay_start_0:
0x88: {  	s2 =	sld [smem:$0x3FD9]  }
0x89: {  	s3 =	sld [smem:$0x3FFE];
	_ =	sdelay $0x1  }
0x8a: {  	s1 =	srdreg.scid  }
0x8b: {  	s0 =	sand.u32 $0x1, s1  }
0x8c: {  	s17 =	sshll.u32 s0, $0xA;
	s2 =	sadd.s32 s3, s2  }
0x8d: {  	s2 =	sadd.s32 s2, s17  }
0x8e: {  	[smem:$0x3FC3] =	sst s2  }
0x8f: {  	_ = 	snop  }
0x90: {  	s2 =	sld [smem:$0x3FC9];
	(tm) =	ssettm $0x1  }
0x91: {  	s18 =	sld [smem:$0x3FFB];
	_ =	sdelay $0x3  }
0x92: {  	_ =	strace s18  }
0x93: {  	s3 =	sld [smem:$0x3FFC];
	_ =	sdelay $0x3  }
0x94: {  	_ =	strace s3  }
0x95: {  	s3 =	sld [smem:$0x3FFD];
	_ =	sdelay $0x3  }
0x96: {  	_ =	strace s3  }
0x97: {  	_ =	strace $0x8FFFFFFF  }
0x98: {  	s19 =	sld [smem:$0x3FDB];
	_ =	sdelay $0x1  }
0x99: {  	s4 =	simm.s32 $_scs_section_size  }
0x9a: {  	s5 =	simm.s32 $_size__tile_overlayer_lowered;
	s6 =	simm.s32 $_tile_overlayer_lowered  }
0x9b: {  	s22 =	simm.s32 $0x1BFF;
	s21 =	sshll.u32 s6, $0x1;
	s3 =	sadd.s32 s4, s19  }
0x9c: {  	s7 =	simm.s32 $0x0;
	s20 =	sshll.u32 s5, $0x1;
	s5 =	sadd.s32 s21, s3  }
0x9d: {  	[timem:s7], [sflag:s22] =	dma.local [hbm:s5], s20  }
0x9e: {  	_ =	swait.ge [sflag:s22], s20  }
0x9f: {  	s4 =	ssub.s32 $0x0, s20;
	[sflag:s22] =	ssyncset.done $0x0  }
0xa0: {  	[sflag:s22] =	ssyncadd.s32 s4;
	_ =	sdelay $0x1  }
0xa1: {  	s23 =	simm.s32 $0x1B8B  }
0xa2: {  	_ =	swait.ge [sflag:s23], $0x1  }
0xa3: {  	[sflag:s23] =	ssyncset.done $0x0  }
0xa4: {  	s25 =	simm.s32 $0x1B8E;
	s24 =	sld [smem:$0x3FFE];
	[sflag:s23] =	ssyncadd.s32 $0xFFFFFFFF  }
0xa5: {  	s26 =	simm.s32 $execute0_lowered;
	[smem:$0x3FD2] =	sst s25  }
0xa6: {  	s5 =	sshll.u32 s26, $0x1;
	_ =	strace $0x80000046;
	[dreg:$0x1] =	wrdreg $0xFFFFFFFF  }
0xa7: {  	s28 =	simm.s32 $_size_execute0_lowered;
	s3 =	sadd.s32 s3, s5;
	[dreg:$0x0] =	wrdreg $0x0  }
0xa8: {  	s5 =	sshll.u32 s28, $0x1;
	[dreg:$0x2] =	wrdreg s3  }
0xa9: {  	[dreg:$0x3] =	wrdreg s5  }
0xaa: {  	[dreg:$0x4] =	wrdreg $0xC0  }
0xab: {  	_ =	task [dreg:s7], $0x5FFFF  }
0xac: {  	[dreg:$0x1] =	wrdreg $0xFFFFFFFF  }
0xad: {  	[dreg:$0x0] =	wrdreg $0x60  }
0xae: {  	[dreg:$0x2] =	wrdreg s2  }
0xaf: {  	[dreg:$0x3] =	wrdreg s24  }
0xb0: {  	[dreg:$0x4] =	wrdreg $0x9  }
0xb1: {  	_ =	task.clear_ibuf [dreg:s7], $0x5FFFF;
	_ =	strace $0x90000046  }
0xb2: {  	s29 =	simm.s32 $0x9;
	_ =	strace $0x80000048  }
0xb3: {  	_ =	swait.ge [sflag:s29], $0x1  }
0xb4: {  	[sflag:s29] =	ssyncadd.s32 $0xFFFFFFFF  }
0xb5: {  	_ =	strace $0x90000048  }
0xb6: {  	_ =	sfence  }
0xb7: {  	s30 =	sld [smem:$0x0];
	_ =	sdelay $0x2  }
0xb8: {  	s31 =	sshll.u32 s1, $0xD;
	s1 =	sshrl.u32 s1, $0x2  }
0xb9: {  	s3 =	sand.u32 $0x4000, s31;
	s1 =	sadd.s32 s1, s30  }
0xba: {  	s0 =	sor.u32 s3, s0;
	s1 =	sshll.u32 s1, $0x11  }
0xbb: {  	s0 =	sor.u32 s1, s0  }
0xbc: {  	s0 =	sadd.s32 $0x8F2B, s0  }
0xbd: {  	[sflag:s0] =	ssyncadd.remote.s32 $0x1  }
0xbe: {  	_ =	sfence.sel $0xFFFF  }
0xbf: {  	[dreg:$0x0] =	wrdreg $0xFFFFFFFF;
	(pc) =	sbr.abs _section_cstart, $3  }
0xc0: {  	[dreg:$0x1] =	wrdreg $0xFFFFFFFF  }
0xc1: {  	_ =	task.clear_ibuf [dreg:s7], $0x2FFFF;
	_ =	strace $0x9FFFFFFF  }
0xc2: {  	(tm) =	ssettm $0x7FFFFFFF  }
0xc3: {  	_ =	shalt  }
tec
execute0_lowered:
.L_overlay_start_1:
0x0: {  	(tag) =	ssettag $0x1  }
0x1: {  	s0 =	rddreg [dreg:$0x0]  }
0x2: {  	s1 =	rddreg [dreg:$0x1];
	s2 =	srdreg.scid  }
0x3: {  	s3 =	stileid.u32;
	s26 =	simm.s32 $0x80;
	s9 =	simm.s32 $0x2  }
0x4: {  	s12 =	simm.s32 $0x1900;
	s13 =	simm.s32 $0x2100;
	s14 =	simm.s32 $0x2900  }
0x5: {  	s15 =	simm.s32 $0x3100;
	s16 =	simm.s32 $0x3900;
	s17 =	simm.s32 $0x4100  }
0x6: {  	s18 =	simm.s32 $0x4900;
	s19 =	simm.s32 $0x5100;
	s20 =	simm.s32 $0x5900  }
0x7: {  	s21 =	simm.s32 $0x6100;
	s22 =	simm.s32 $0x6900;
	s23 =	simm.s32 $0x7100  }
0x8: {  	s24 =	simm.s32 $0x7900;
	s28 =	simm.s32 $0x9100;
	s29 =	simm.s32 $0x9900  }
0x9: {  	s30 =	simm.s32 $0xA100;
	s31 =	simm.s32 $0xA900;
	s4 =	sand.u32 $0x1, s2  }
0xa: {  	s2 =	simm.s32 $0x0;
	s3 =	sshll.u32 s3, $0x4;
	s5 =	sshll.u32 s4, $0x3  }
0xb: {  	[smem:$0x7FF] =	sst s2;
	s4 =	ssub.s32 $0x2, s4;
	s5 =	sor.u32 s5, s3  }
0xc: {  	_ =	strace $0x80000047;
	s3 =	sadd.s32 $0x2A00, s1;
	s8 =	sshrl.u32 s4, $0x1  }
0xd: {  	[dreg:$0x6] =	wrdreg s26;
	s26 =	simm.s32 $0x8900;
	s6 =	sadd.s32 s5, s1  }
0xe: {  	s5 =	smul.u32 $0x300, s5;
	s25 =	ssub.s32 s4, s8;
	s7 =	sadd.s32 $0x2200, s6  }
0xf: {  	s4 =	sadd.s32 $0x2B00, s1;
	s6 =	sadd.s32 $0x2400, s6;
	[dreg:$0x3] =	wrdreg s7  }
0x10: {  	v2 =	vlaneseq.u32;
	s8 =	simm.s32 $0xB900;
	[dreg:$0x4] =	wrdreg s6;
	s0 =	sadd.s32 s0, s5  }
0x11: {  	vm0 =	vmmov $0xffff;
	v1 =	vshrl.u32 v2, $0x3;
	s5 =	sadd.s32 $0x2C00, s1;
	s6 =	smax.u32 s25, $0x1;
	s7 =	simm.s32 $0x3  }
0x12: {  	v0 =	vand.u32 $0x7, v2;
	v2 =	vor.u32 $0x8, v2;
	v1 =	vmul.u32 $0x8, v1;
	s1 =	simm.s32 $0x100;
	s25 =	simm.s32 $0x8100;
	[dreg:$0x5] =	wrdreg s0  }
.LBB2_1:
0x13: {  	s10 =	rddreg [dreg:$0x3]  }
0x14: {  	[tilespmem:s2], [sflag:$0x3] =	stream.linear.gather [hbm4b:s10+s2], $0x40, $0x38;
	[tilespmem:$0xC100] =	vst v63  }
0x15: {  	_ =	swait.ge [sflag:s7], $0x40  }
0x16: {  	s0 =	rddreg [dreg:$0x4];
	[sflag:s7] =	ssyncset.done $0x0  }
0x17: {  	s11 =	rddreg [dreg:$0x6];
	[sflag:s7] =	ssyncadd.s32 $0xFFFFFFC0  }
0x18: {  	[tilespmem:s11], [sflag:$0x3] =	stream.linear.gather [hbm4b:s0+s2], $0x40, $0x38;
	[tilespmem:$0xC100] =	vst v63  }
0x19: {  	_ =	swait.ge [sflag:s7], $0x40  }
0x1a: {  	[sflag:s7] =	ssyncset.done $0x0  }
0x1b: {  	s0 =	rddreg [dreg:$0x5];
	[sflag:s7] =	ssyncadd.s32 $0xFFFFFFC0  }
0x1c: {  	[tilespmem:s1], [sflag:$0x3] =	stream.linear.gather [hbm4b:s0+s2], $0xC000, $0x38;
	[tilespmem:$0xC100] =	vst v63  }
0x1d: {  	_ =	swait.ge [sflag:s7], $0xC000  }
0x1e: {  	[sflag:s7] =	ssyncset.done $0x0  }
0x1f: {  	[sflag:s7] =	ssyncadd.s32 $0xFFFF4000  }
0x20: {  	v3 =	vld [tilespmem:$0x0];
	_ =	sdelay $0x4  }
0x21: {  	v4 =	vshrl.u32 v3, $0x3  }
0x22: {  	v4 =	vmul.u32 $0x30, v4  }
0x23: {  	v3 =	vand.u32 $0x7, v3  }
0x24: {  	v3 =	vor.u32 v3, v4  }
0x25: {  	v4 =	vperm.xlane v3, v0;
	_ =	sdelay $0x1  }
0x26: {  	v4 =	vadd.s32 v1, v4;
	_ =	sdelay $0x3  }
0x27: {  	v3 =	vperm.xlane v3, v2  }
0x28: {  	[hbm4b:s3+s2] =	stream.indirect_vreg.scatter [tilespmem:s1], [sflag:$0x1], $0x80, v4, vm0, $0xb8;
	[tilespmem:$0xC100] =	vst v63  }
0x29: {  	s10 =	simm.s32 $0x900;
	v3 =	vadd.s32 v1, v3  }
0x2a: {  	[hbm4b:s4+s2] =	stream.indirect_vreg.scatter [tilespmem:s10], [sflag:$0x1], $0x80, v4, vm0, $0xb8;
	[tilespmem:$0xC100] =	vst v63  }
0x2b: {  	s11 =	simm.s32 $0x1100  }
0x2c: {  	[hbm4b:s5+s2] =	stream.indirect_vreg.scatter [tilespmem:s11], [sflag:$0x1], $0x80, v4, vm0, $0xb8;
	[tilespmem:$0xC100] =	vst v63  }
0x2d: {  	_ = 	snop  }
0x2e: {  	[hbm4b:s3+s2] =	stream.indirect_vreg.scatter [tilespmem:s12], [sflag:$0x1], $0x80, v3, vm0, $0xb8;
	[tilespmem:$0xC100] =	vst v63  }
0x2f: {  	_ = 	snop  }
0x30: {  	[hbm4b:s4+s2] =	stream.indirect_vreg.scatter [tilespmem:s13], [sflag:$0x1], $0x80, v3, vm0, $0xb8;
	[tilespmem:$0xC100] =	vst v63  }
0x31: {  	_ = 	snop  }
0x32: {  	[hbm4b:s5+s2] =	stream.indirect_vreg.scatter [tilespmem:s14], [sflag:$0x1], $0x80, v3, vm0, $0xb8;
	[tilespmem:$0xC100] =	vst v63  }
0x33: {  	v3 =	vld [tilespmem:$0x10];
	_ =	sdelay $0x4  }
0x34: {  	v57 =	vshrl.u32 v3, $0x3  }
0x35: {  	v4 =	vmul.u32 $0x30, v57  }
0x36: {  	v3 =	vand.u32 $0x7, v3  }
0x37: {  	v3 =	vor.u32 v3, v4  }
0x38: {  	v4 =	vperm.xlane v3, v0;
	_ =	sdelay $0x1  }
0x39: {  	v4 =	vadd.s32 v1, v4;
	_ =	sdelay $0x3  }
0x3a: {  	v3 =	vperm.xlane v3, v2  }
0x3b: {  	[hbm4b:s3+s2] =	stream.indirect_vreg.scatter [tilespmem:s15], [sflag:$0x1], $0x80, v4, vm0, $0xb8;
	[tilespmem:$0xC100] =	vst v63  }
0x3c: {  	v3 =	vadd.s32 v1, v3  }
0x3d: {  	[hbm4b:s4+s2] =	stream.indirect_vreg.scatter [tilespmem:s16], [sflag:$0x1], $0x80, v4, vm0, $0xb8;
	[tilespmem:$0xC100] =	vst v63  }
0x3e: {  	_ = 	snop  }
0x3f: {  	[hbm4b:s5+s2] =	stream.indirect_vreg.scatter [tilespmem:s17], [sflag:$0x1], $0x80, v4, vm0, $0xb8;
	[tilespmem:$0xC100] =	vst v63  }
0x40: {  	_ = 	snop  }
0x41: {  	[hbm4b:s3+s2] =	stream.indirect_vreg.scatter [tilespmem:s18], [sflag:$0x1], $0x80, v3, vm0, $0xb8;
	[tilespmem:$0xC100] =	vst v63  }
0x42: {  	_ = 	snop  }
0x43: {  	[hbm4b:s4+s2] =	stream.indirect_vreg.scatter [tilespmem:s19], [sflag:$0x1], $0x80, v3, vm0, $0xb8;
	[tilespmem:$0xC100] =	vst v63  }
0x44: {  	_ = 	snop  }
0x45: {  	[hbm4b:s5+s2] =	stream.indirect_vreg.scatter [tilespmem:s20], [sflag:$0x1], $0x80, v3, vm0, $0xb8;
	[tilespmem:$0xC100] =	vst v63  }
0x46: {  	v3 =	vld [tilespmem:$0x20];
	_ =	sdelay $0x4  }
0x47: {  	v58 =	vshrl.u32 v3, $0x3  }
0x48: {  	v4 =	vmul.u32 $0x30, v58  }
0x49: {  	v3 =	vand.u32 $0x7, v3  }
0x4a: {  	v3 =	vor.u32 v3, v4  }
0x4b: {  	v4 =	vperm.xlane v3, v0;
	_ =	sdelay $0x1  }
0x4c: {  	v4 =	vadd.s32 v1, v4;
	_ =	sdelay $0x3  }
0x4d: {  	v3 =	vperm.xlane v3, v2  }
0x4e: {  	[hbm4b:s3+s2] =	stream.indirect_vreg.scatter [tilespmem:s21], [sflag:$0x1], $0x80, v4, vm0, $0xb8;
	[tilespmem:$0xC100] =	vst v63  }
0x4f: {  	v3 =	vadd.s32 v1, v3  }
0x50: {  	[hbm4b:s4+s2] =	stream.indirect_vreg.scatter [tilespmem:s22], [sflag:$0x1], $0x80, v4, vm0, $0xb8;
	[tilespmem:$0xC100] =	vst v63  }
0x51: {  	_ = 	snop  }
0x52: {  	[hbm4b:s5+s2] =	stream.indirect_vreg.scatter [tilespmem:s23], [sflag:$0x1], $0x80, v4, vm0, $0xb8;
	[tilespmem:$0xC100] =	vst v63  }
0x53: {  	_ = 	snop  }
0x54: {  	[hbm4b:s3+s2] =	stream.indirect_vreg.scatter [tilespmem:s24], [sflag:$0x1], $0x80, v3, vm0, $0xb8;
	[tilespmem:$0xC100] =	vst v63  }
0x55: {  	_ = 	snop  }
0x56: {  	[hbm4b:s4+s2] =	stream.indirect_vreg.scatter [tilespmem:s25], [sflag:$0x1], $0x80, v3, vm0, $0xb8;
	[tilespmem:$0xC100] =	vst v63  }
0x57: {  	_ = 	snop  }
0x58: {  	[hbm4b:s5+s2] =	stream.indirect_vreg.scatter [tilespmem:s26], [sflag:$0x1], $0x80, v3, vm0, $0xb8;
	[tilespmem:$0xC100] =	vst v63  }
0x59: {  	v3 =	vld [tilespmem:$0x30];
	_ =	sdelay $0x4  }
0x5a: {  	v59 =	vshrl.u32 v3, $0x3  }
0x5b: {  	v4 =	vmul.u32 $0x30, v59  }
0x5c: {  	v3 =	vand.u32 $0x7, v3  }
0x5d: {  	v3 =	vor.u32 v3, v4  }
0x5e: {  	v4 =	vperm.xlane v3, v0;
	_ =	sdelay $0x1  }
0x5f: {  	v4 =	vadd.s32 v1, v4;
	_ =	sdelay $0x3  }
0x60: {  	v3 =	vperm.xlane v3, v2  }
0x61: {  	[hbm4b:s3+s2] =	stream.indirect_vreg.scatter [tilespmem:s28], [sflag:$0x1], $0x80, v4, vm0, $0xb8;
	[tilespmem:$0xC100] =	vst v63  }
0x62: {  	v3 =	vadd.s32 v1, v3  }
0x63: {  	[hbm4b:s4+s2] =	stream.indirect_vreg.scatter [tilespmem:s29], [sflag:$0x1], $0x80, v4, vm0, $0xb8;
	[tilespmem:$0xC100] =	vst v63  }
0x64: {  	_ = 	snop  }
0x65: {  	[hbm4b:s5+s2] =	stream.indirect_vreg.scatter [tilespmem:s30], [sflag:$0x1], $0x80, v4, vm0, $0xb8;
	[tilespmem:$0xC100] =	vst v63  }
0x66: {  	_ = 	snop  }
0x67: {  	[hbm4b:s3+s2] =	stream.indirect_vreg.scatter [tilespmem:s31], [sflag:$0x1], $0x80, v3, vm0, $0xb8;
	[tilespmem:$0xC100] =	vst v63  }
0x68: {  	s0 =	simm.s32 $0xB100  }
0x69: {  	[hbm4b:s4+s2] =	stream.indirect_vreg.scatter [tilespmem:s0], [sflag:$0x1], $0x80, v3, vm0, $0xb8;
	[tilespmem:$0xC100] =	vst v63  }
0x6a: {  	_ = 	snop  }
0x6b: {  	[hbm4b:s5+s2] =	stream.indirect_vreg.scatter [tilespmem:s8], [sflag:$0x1], $0x80, v3, vm0, $0xb8;
	[tilespmem:$0xC100] =	vst v63  }
0x6c: {  	v3 =	vld [tilespmem:$0x80];
	_ =	sdelay $0x4  }
0x6d: {  	v60 =	vshrl.u32 v3, $0x3  }
0x6e: {  	v4 =	vmul.u32 $0x30, v60  }
0x6f: {  	v3 =	vand.u32 $0x7, v3  }
0x70: {  	v3 =	vor.u32 v3, v4  }
0x71: {  	v4 =	vperm.xlane v3, v0;
	_ =	sdelay $0x1  }
0x72: {  	v4 =	vadd.s32 v1, v4;
	_ =	sdelay $0x3  }
0x73: {  	v3 =	vperm.xlane v3, v2  }
0x74: {  	[hbm4b:s3+s2] =	stream.indirect_vreg.scatter [tilespmem:s1], [sflag:$0x2], $0x80, v4, vm0, $0xb8;
	[tilespmem:$0xC100] =	vst v63  }
0x75: {  	v3 =	vadd.s32 v1, v3  }
0x76: {  	[hbm4b:s4+s2] =	stream.indirect_vreg.scatter [tilespmem:s10], [sflag:$0x2], $0x80, v4, vm0, $0xb8;
	[tilespmem:$0xC100] =	vst v63  }
0x77: {  	_ = 	snop  }
0x78: {  	[hbm4b:s5+s2] =	stream.indirect_vreg.scatter [tilespmem:s11], [sflag:$0x2], $0x80, v4, vm0, $0xb8;
	[tilespmem:$0xC100] =	vst v63  }
0x79: {  	_ = 	snop  }
0x7a: {  	[hbm4b:s3+s2] =	stream.indirect_vreg.scatter [tilespmem:s12], [sflag:$0x2], $0x80, v3, vm0, $0xb8;
	[tilespmem:$0xC100] =	vst v63  }
0x7b: {  	_ = 	snop  }
0x7c: {  	[hbm4b:s4+s2] =	stream.indirect_vreg.scatter [tilespmem:s13], [sflag:$0x2], $0x80, v3, vm0, $0xb8;
	[tilespmem:$0xC100] =	vst v63  }
0x7d: {  	_ = 	snop  }
0x7e: {  	[hbm4b:s5+s2] =	stream.indirect_vreg.scatter [tilespmem:s14], [sflag:$0x2], $0x80, v3, vm0, $0xb8;
	[tilespmem:$0xC100] =	vst v63  }
0x7f: {  	v3 =	vld [tilespmem:$0x90];
	_ =	sdelay $0x4  }
0x80: {  	v61 =	vshrl.u32 v3, $0x3  }
0x81: {  	v4 =	vmul.u32 $0x30, v61  }
0x82: {  	v3 =	vand.u32 $0x7, v3  }
0x83: {  	v3 =	vor.u32 v3, v4  }
0x84: {  	v4 =	vperm.xlane v3, v0;
	_ =	sdelay $0x1  }
0x85: {  	v4 =	vadd.s32 v1, v4;
	_ =	sdelay $0x3  }
0x86: {  	v3 =	vperm.xlane v3, v2  }
0x87: {  	[hbm4b:s3+s2] =	stream.indirect_vreg.scatter [tilespmem:s15], [sflag:$0x2], $0x80, v4, vm0, $0xb8;
	[tilespmem:$0xC100] =	vst v63  }
0x88: {  	v3 =	vadd.s32 v1, v3  }
0x89: {  	[hbm4b:s4+s2] =	stream.indirect_vreg.scatter [tilespmem:s16], [sflag:$0x2], $0x80, v4, vm0, $0xb8;
	[tilespmem:$0xC100] =	vst v63  }
0x8a: {  	_ = 	snop  }
0x8b: {  	[hbm4b:s5+s2] =	stream.indirect_vreg.scatter [tilespmem:s17], [sflag:$0x2], $0x80, v4, vm0, $0xb8;
	[tilespmem:$0xC100] =	vst v63  }
0x8c: {  	_ = 	snop  }
0x8d: {  	[hbm4b:s3+s2] =	stream.indirect_vreg.scatter [tilespmem:s18], [sflag:$0x2], $0x80, v3, vm0, $0xb8;
	[tilespmem:$0xC100] =	vst v63  }
0x8e: {  	_ = 	snop  }
0x8f: {  	[hbm4b:s4+s2] =	stream.indirect_vreg.scatter [tilespmem:s19], [sflag:$0x2], $0x80, v3, vm0, $0xb8;
	[tilespmem:$0xC100] =	vst v63  }
0x90: {  	_ = 	snop  }
0x91: {  	[hbm4b:s5+s2] =	stream.indirect_vreg.scatter [tilespmem:s20], [sflag:$0x2], $0x80, v3, vm0, $0xb8;
	[tilespmem:$0xC100] =	vst v63  }
0x92: {  	v3 =	vld [tilespmem:$0xA0];
	_ =	sdelay $0x4  }
0x93: {  	v62 =	vshrl.u32 v3, $0x3  }
0x94: {  	v4 =	vmul.u32 $0x30, v62  }
0x95: {  	v3 =	vand.u32 $0x7, v3  }
0x96: {  	v3 =	vor.u32 v3, v4  }
0x97: {  	v4 =	vperm.xlane v3, v0;
	_ =	sdelay $0x1  }
0x98: {  	v4 =	vadd.s32 v1, v4;
	_ =	sdelay $0x3  }
0x99: {  	v3 =	vperm.xlane v3, v2  }
0x9a: {  	[hbm4b:s3+s2] =	stream.indirect_vreg.scatter [tilespmem:s21], [sflag:$0x2], $0x80, v4, vm0, $0xb8;
	[tilespmem:$0xC100] =	vst v63  }
0x9b: {  	v3 =	vadd.s32 v1, v3  }
0x9c: {  	[hbm4b:s4+s2] =	stream.indirect_vreg.scatter [tilespmem:s22], [sflag:$0x2], $0x80, v4, vm0, $0xb8;
	[tilespmem:$0xC100] =	vst v63  }
0x9d: {  	_ = 	snop  }
0x9e: {  	[hbm4b:s5+s2] =	stream.indirect_vreg.scatter [tilespmem:s23], [sflag:$0x2], $0x80, v4, vm0, $0xb8;
	[tilespmem:$0xC100] =	vst v63  }
0x9f: {  	_ = 	snop  }
0xa0: {  	[hbm4b:s3+s2] =	stream.indirect_vreg.scatter [tilespmem:s24], [sflag:$0x2], $0x80, v3, vm0, $0xb8;
	[tilespmem:$0xC100] =	vst v63  }
0xa1: {  	_ = 	snop  }
0xa2: {  	[hbm4b:s4+s2] =	stream.indirect_vreg.scatter [tilespmem:s25], [sflag:$0x2], $0x80, v3, vm0, $0xb8;
	[tilespmem:$0xC100] =	vst v63  }
0xa3: {  	_ = 	snop  }
0xa4: {  	[hbm4b:s5+s2] =	stream.indirect_vreg.scatter [tilespmem:s26], [sflag:$0x2], $0x80, v3, vm0, $0xb8;
	[tilespmem:$0xC100] =	vst v63  }
0xa5: {  	v3 =	vld [tilespmem:$0xB0];
	_ =	sdelay $0x4  }
0xa6: {  	v63 =	vshrl.u32 v3, $0x3  }
0xa7: {  	v4 =	vmul.u32 $0x30, v63  }
0xa8: {  	v3 =	vand.u32 $0x7, v3  }
0xa9: {  	v3 =	vor.u32 v3, v4  }
0xaa: {  	v4 =	vperm.xlane v3, v0;
	_ =	sdelay $0x1  }
0xab: {  	v4 =	vadd.s32 v1, v4;
	_ =	sdelay $0x3  }
0xac: {  	v3 =	vperm.xlane v3, v2  }
0xad: {  	[hbm4b:s3+s2] =	stream.indirect_vreg.scatter [tilespmem:s28], [sflag:$0x2], $0x80, v4, vm0, $0xb8;
	[tilespmem:$0xC100] =	vst v63  }
0xae: {  	v3 =	vadd.s32 v1, v3  }
0xaf: {  	[hbm4b:s4+s2] =	stream.indirect_vreg.scatter [tilespmem:s29], [sflag:$0x2], $0x80, v4, vm0, $0xb8;
	[tilespmem:$0xC100] =	vst v63  }
0xb0: {  	_ = 	snop  }
0xb1: {  	[hbm4b:s5+s2] =	stream.indirect_vreg.scatter [tilespmem:s30], [sflag:$0x2], $0x80, v4, vm0, $0xb8;
	[tilespmem:$0xC100] =	vst v63  }
0xb2: {  	_ = 	snop  }
0xb3: {  	[hbm4b:s3+s2] =	stream.indirect_vreg.scatter [tilespmem:s31], [sflag:$0x2], $0x80, v3, vm0, $0xb8;
	[tilespmem:$0xC100] =	vst v63  }
0xb4: {  	_ = 	snop  }
0xb5: {  	[hbm4b:s4+s2] =	stream.indirect_vreg.scatter [tilespmem:s0], [sflag:$0x2], $0x80, v3, vm0, $0xb8;
	[tilespmem:$0xC100] =	vst v63  }
0xb6: {  	s11 =	simm.s32 $0x1  }
0xb7: {  	[hbm4b:s5+s2] =	stream.indirect_vreg.scatter [tilespmem:s8], [sflag:$0x2], $0x80, v3, vm0, $0xb8;
	[tilespmem:$0xC100] =	vst v63  }
0xb8: {  	p0 =	sne.s32 s6, $0x1;
	_ =	swait.ge [sflag:s11], $0xC000  }
.Ltmp0:
0xb9: {  	[sflag:s11] =	ssyncset.done $0x0;
	(pc) =	sbr.rel @p0 .LBB2_1-.Ltmp0, $4  }
0xba: {  	[sflag:s11] =	ssyncadd.s32 $0xFFFF4000  }
0xbb: {  	_ =	swait.ge [sflag:s9], $0xC000  }
0xbc: {  	[sflag:s9] =	ssyncset.done $0x0  }
0xbd: {  	s6 =	sadd.s32 $0xFFFFFFFF, s6;
	[sflag:s9] =	ssyncadd.s32 $0xFFFF4000  }
0xbe: {  	_ =	sfence.sel $0x180000  }
0xbf: {  	[bflag:$0x0] =	sbarrier.arrive $0xFFFF  }
0xc0: {  	_ =	strace $0x90000047  }
0xc1: {  	s0 =	stileid.u32;
	[bflag:$0x2] =	sbarrier.arrive $0xFFFF  }
0xc2: {  	p0 =	sne.s32 s0, $0x0;
	s0 =	rddreg [dreg:$0x2]  }
0xc3: {  	s0 =	sadd.s32 @!p0 $0x100000, s0  }
0xc4: {  	[sflag:s0] =	ssyncadd.tile.s32 @!p0 $0x1;
	_ =	shalt  }
.Lfunc_end2:
_tile_overlayer_lowered:
.L_overlay_start_2:
0xc5: {  	(tag) =	ssettag $0x2  }
0xc6: {  	s0 =	rddreg [dreg:$0x0];
	s2 =	stileid.u32  }
0xc7: {  	s1 =	rddreg [dreg:$0x1];
	p0 =	sne.s32 s2, $0x0  }
0xc8: {  	s3 =	rddreg [dreg:$0x2];
	[bflag:$0x3] =	sbarrier.arrive $0xFFFF;
	s2 =	simm.s32 @!p0 $0x1C03  }
0xc9: {  	[timem:s3], [sflag:s2] =	dma.local @!p0 [hbm:s0], s1  }
0xca: {  	s0 =	simm.s32 @!p0 $0x3  }
0xcb: {  	_ =	swait.ge @!p0 [sflag:s0], s1  }
0xcc: {  	s1 =	ssub.s32 @!p0 $0x0, s1;
	[sflag:s0] =	ssyncset.done @!p0 $0x0  }
0xcd: {  	[sflag:s0] =	ssyncadd.s32 @!p0 s1  }
0xce: {  	[bflag:$0x3] =	sbarrier.arrive $0xFFFF  }
0xcf: {  	_ =	shalt  }

// kernel: kernel.9.cloned.1.call-start
scs
__scs_entry_jumppad:
0x0: {  	(pc) =	sbr.rel $0x88, $3  }
0x1: {  	(tag) =	ssettag $0x0;
	lr =	simm.s32 $0x1  }
0x2: {  	[smem:$0x3F9C] =	sst lr;
	_ =	strace $0xD0000000  }
0x3: {  	_ = 	snop  }
0x4: {  	_ = 	snop  }
0x5: {  	_ = 	snop  }
0x6: {  	_ = 	snop  }
0x7: {  	_ = 	snop  }
__scs_overlays_trampoline_lowered:
0x8: {  	[smem:$0x3FAB] =	sst s0  }
0x9: {  	[smem:$0x3FAC] =	sst s1  }
0xa: {  	[smem:$0x3FAD] =	sst s2  }
0xb: {  	[smem:$0x3FAE] =	sst s3  }
0xc: {  	[smem:$0x3FAF] =	sst s4  }
0xd: {  	[smem:$0x3FB0] =	sst s5  }
0xe: {  	[smem:$0x3FB1] =	sst s6  }
0xf: {  	[smem:$0x3FB2] =	sst s7  }
0x10: {  	[smem:$0x3FB3] =	sst s8  }
0x11: {  	[smem:$0x3FB4] =	sst s9;
	s0 =	simm.s32 @!p0 $0x0  }
0x12: {  	s1 =	sld [smem:$0x3F9A];
	s0 =	simm.s32 @p0 $0x1  }
0x13: {  	[smem:$0x3FB5] =	sst s0;
	s0 =	simm.s32 @!p1 $0x0  }
0x14: {  	s2 =	sld [smem:$0x3F99];
	s0 =	simm.s32 @p1 $0x1  }
0x15: {  	[smem:$0x3FB6] =	sst s0;
	s0 =	simm.s32 @!p2 $0x0  }
0x16: {  	s3 =	sld [smem:$0x3FDB];
	s0 =	simm.s32 @p2 $0x1  }
0x17: {  	s4 =	simm.s32 $0x1BF5;
	[smem:$0x3FB8] =	sst s0  }
0x18: {  	s0 =	sld [smem:$0x3F9B];
	_ =	swait.ge [sflag:s4], $0x0  }
0x19: {  	s7 =	sld [smem:$0x3F9C]  }
0x1a: {  	s8 =	sadd.s32 $0xFFFFE003, lr  }
0x1b: {  	s9 =	sadd.s32 $0xFFFFFEF7, lr;
	s5 =	simm.s32 $0xFFFFFFFF;
	p2 =	slt.u32 s8, $0xFFFFF086  }
0x1c: {  	p1 =	slt.u32 s9, $0xF7A;
	s5 =	simm.s32 @!p2 $0x0  }
0x1d: {  	s5 =	simm.s32 @p1 $0x1;
	p0 =	seq.s32 s7, s2  }
0x1e: {  	s7 =	smul.u32 @!p0 $0xF7A, s2;
	p2 =	seq.s32 @!p0 s5, $0x0  }
0x1f: {  	s9 =	smul.u32 $0xF7A, s1;
	s8 =	simm.s32 @!p0 $0x1BF5;
	p2 =	por !p2, p0  }
0x20: {  	[sflag:s8] =	ssyncset.s32 @!p0 $0xFFFFF086;
	s6 =	sadd.s32 @!p0 s3, s7;
	s7 =	simm.s32 @!p0 $0x108  }
0x21: {  	s3 =	sadd.s32 s3, s9;
	s6 =	sadd.s32 @!p0 $0x88, s6;
	s7 =	simm.s32 @p2 $0x1082  }
0x22: {  	[simem:s7], [sflag:s8] =	dma.local @!p0 [hbm:s6], $0xF7A  }
0x23: {  	s9 =	sor.u32 $0xD0000000, s2;
	s6 =	simm.s32 $0x108;
	_ =	swait.ge @!p0 [sflag:s8], $0x0  }
0x24: {  	s3 =	sadd.s32 $0x88, s3;
	s6 =	simm.s32 @!p1 $0x1082;
	[sflag:s4] =	ssyncset.s32 $0xFFFFF086  }
0x25: {  	[simem:s6], [sflag:s4] =	dma.local [hbm:s3], $0xF7A  }
0x26: {  	[smem:$0x3F9C] =	sst s1;
	(tag) =	ssettag s2;
	_ =	strace s9  }
0x27: {  	s1 =	sld [smem:$0x3FAC]  }
0x28: {  	s2 =	sld [smem:$0x3FAD]  }
0x29: {  	s4 =	sld [smem:$0x3FAF]  }
0x2a: {  	p0 =	seq.s32 s5, $0x0;
	s5 =	sld [smem:$0x3FB0]  }
0x2b: {  	s6 =	sld [smem:$0x3FB1]  }
0x2c: {  	s7 =	sld [smem:$0x3FB2]  }
0x2d: {  	s3 =	simm.s32 $0x108;
	s8 =	sld [smem:$0x3FB3]  }
0x2e: {  	s3 =	simm.s32 @!p0 $0x1082;
	s9 =	sld [smem:$0x3FB4]  }
0x2f: {  	lr =	sadd.s32 s0, s3;
	s0 =	sld [smem:$0x3FAB]  }
0x30: {  	s3 =	sld [smem:$0x3FAE]  }
0x31: {  	[smem:$0x3FB7] =	sst s10  }
0x32: {  	s10 =	sld [smem:$0x3FB5];
	_ =	sdelay $0x3  }
0x33: {  	p0 =	seq.s32 s10, $0x1;
	s10 =	sld [smem:$0x3FB7];
	_ =	sdelay $0x3  }
0x34: {  	[smem:$0x3FB7] =	sst s10  }
0x35: {  	s10 =	sld [smem:$0x3FB6];
	_ =	sdelay $0x3  }
0x36: {  	p1 =	seq.s32 s10, $0x1;
	s10 =	sld [smem:$0x3FB7];
	_ =	sdelay $0x3  }
0x37: {  	[smem:$0x3FB7] =	sst s10  }
0x38: {  	s10 =	sld [smem:$0x3FB8]  }
0x39: {  	_ = 	snop;
	(pc) =	sbr.ind lr, $3  }
0x3a: {  	_ = 	snop  }
0x3b: {  	_ = 	snop  }
0x3c: {  	p2 =	seq.s32 s10, $0x1;
	s10 =	sld [smem:$0x3FB7]  }
0x3d: {  	_ =	shalt  }
0x3e: {  	_ =	shalt  }
0x3f: {  	_ =	shalt  }
0x40: {  	_ =	shalt  }
0x41: {  	_ =	shalt  }
0x42: {  	_ =	shalt  }
0x43: {  	_ =	shalt  }
0x44: {  	_ =	shalt  }
0x45: {  	_ =	shalt  }
0x46: {  	_ =	shalt  }
0x47: {  	_ =	shalt  }
0x48: {  	_ =	shalt  }
0x49: {  	_ =	shalt  }
0x4a: {  	_ =	shalt  }
0x4b: {  	_ =	shalt  }
0x4c: {  	_ =	shalt  }
0x4d: {  	_ =	shalt  }
0x4e: {  	_ =	shalt  }
0x4f: {  	_ =	shalt  }
0x50: {  	_ =	shalt  }
0x51: {  	_ =	shalt  }
0x52: {  	_ =	shalt  }
0x53: {  	_ =	shalt  }
0x54: {  	_ =	shalt  }
0x55: {  	_ =	shalt  }
0x56: {  	_ =	shalt  }
0x57: {  	_ =	shalt  }
0x58: {  	_ =	shalt  }
0x59: {  	_ =	shalt  }
0x5a: {  	_ =	shalt  }
0x5b: {  	_ =	shalt  }
0x5c: {  	_ =	shalt  }
0x5d: {  	_ =	shalt  }
0x5e: {  	_ =	shalt  }
0x5f: {  	_ =	shalt  }
0x60: {  	_ =	shalt  }
0x61: {  	_ =	shalt  }
0x62: {  	_ =	shalt  }
0x63: {  	_ =	shalt  }
0x64: {  	_ =	shalt  }
0x65: {  	_ =	shalt  }
0x66: {  	_ =	shalt  }
0x67: {  	_ =	shalt  }
0x68: {  	_ =	shalt  }
0x69: {  	_ =	shalt  }
0x6a: {  	_ =	shalt  }
0x6b: {  	_ =	shalt  }
0x6c: {  	_ =	shalt  }
0x6d: {  	_ =	shalt  }
0x6e: {  	_ =	shalt  }
0x6f: {  	_ =	shalt  }
0x70: {  	_ =	shalt  }
0x71: {  	_ =	shalt  }
0x72: {  	_ =	shalt  }
0x73: {  	_ =	shalt  }
0x74: {  	_ =	shalt  }
0x75: {  	_ =	shalt  }
0x76: {  	_ =	shalt  }
0x77: {  	_ =	shalt  }
0x78: {  	_ =	shalt  }
0x79: {  	_ =	shalt  }
0x7a: {  	_ =	shalt  }
0x7b: {  	_ =	shalt  }
0x7c: {  	_ =	shalt  }
0x7d: {  	_ =	shalt  }
0x7e: {  	_ =	shalt  }
0x7f: {  	_ =	shalt  }
0x80: {  	_ =	shalt  }
0x81: {  	_ =	shalt  }
0x82: {  	_ =	shalt  }
0x83: {  	_ =	shalt  }
0x84: {  	_ =	shalt  }
0x85: {  	_ =	shalt  }
0x86: {  	_ =	shalt  }
0x87: {  	_ =	shalt  }
.Lfunc_end0:
.L_simem_size_0:
called_computation.1_lowered:
.L_overlay_start_0:
0x88: {  	s2 =	sld [smem:$0x3FD9]  }
0x89: {  	s3 =	sld [smem:$0x3FFE];
	_ =	sdelay $0x1  }
0x8a: {  	s1 =	srdreg.scid  }
0x8b: {  	s0 =	sand.u32 $0x1, s1  }
0x8c: {  	s17 =	sshll.u32 s0, $0xA;
	s2 =	sadd.s32 s3, s2  }
0x8d: {  	s2 =	sadd.s32 s2, s17  }
0x8e: {  	[smem:$0x3FC3] =	sst s2  }
0x8f: {  	_ = 	snop  }
0x90: {  	s2 =	sld [smem:$0x3FD0];
	(tm) =	ssettm $0x1  }
0x91: {  	s18 =	sld [smem:$0x3FFB];
	_ =	sdelay $0x3  }
0x92: {  	_ =	strace s18  }
0x93: {  	s3 =	sld [smem:$0x3FFC];
	_ =	sdelay $0x3  }
0x94: {  	_ =	strace s3  }
0x95: {  	s3 =	sld [smem:$0x3FFD];
	_ =	sdelay $0x3  }
0x96: {  	_ =	strace s3  }
0x97: {  	_ =	strace $0x8FFFFFFF  }
0x98: {  	s19 =	sld [smem:$0x3FDB];
	_ =	sdelay $0x1  }
0x99: {  	s4 =	simm.s32 $_scs_section_size  }
0x9a: {  	s5 =	simm.s32 $_size__tile_overlayer_lowered;
	s6 =	simm.s32 $_tile_overlayer_lowered  }
0x9b: {  	s22 =	simm.s32 $0x1BFF;
	s21 =	sshll.u32 s6, $0x1;
	s3 =	sadd.s32 s4, s19  }
0x9c: {  	s7 =	simm.s32 $0x0;
	s20 =	sshll.u32 s5, $0x1;
	s5 =	sadd.s32 s21, s3  }
0x9d: {  	[timem:s7], [sflag:s22] =	dma.local [hbm:s5], s20  }
0x9e: {  	_ =	swait.ge [sflag:s22], s20  }
0x9f: {  	s4 =	ssub.s32 $0x0, s20;
	[sflag:s22] =	ssyncset.done $0x0  }
0xa0: {  	[sflag:s22] =	ssyncadd.s32 s4;
	_ =	sdelay $0x1  }
0xa1: {  	s23 =	simm.s32 $0x1B8B  }
0xa2: {  	_ =	swait.ge [sflag:s23], $0x1  }
0xa3: {  	[sflag:s23] =	ssyncset.done $0x0  }
0xa4: {  	s25 =	simm.s32 $0x1B8E;
	s24 =	sld [smem:$0x3FFE];
	[sflag:s23] =	ssyncadd.s32 $0xFFFFFFFF  }
0xa5: {  	s26 =	simm.s32 $execute0_lowered;
	[smem:$0x3FD2] =	sst s25  }
0xa6: {  	s5 =	sshll.u32 s26, $0x1;
	_ =	strace $0x80000049;
	[dreg:$0x1] =	wrdreg $0xFFFFFFFF  }
0xa7: {  	s28 =	simm.s32 $_size_execute0_lowered;
	s3 =	sadd.s32 s3, s5;
	[dreg:$0x0] =	wrdreg $0x0  }
0xa8: {  	s5 =	sshll.u32 s28, $0x1;
	[dreg:$0x2] =	wrdreg s3  }
0xa9: {  	[dreg:$0x3] =	wrdreg s5  }
0xaa: {  	[dreg:$0x4] =	wrdreg $0xC0  }
0xab: {  	_ =	task [dreg:s7], $0x5FFFF  }
0xac: {  	[dreg:$0x1] =	wrdreg $0xFFFFFFFF  }
0xad: {  	[dreg:$0x0] =	wrdreg $0x60  }
0xae: {  	[dreg:$0x2] =	wrdreg s24  }
0xaf: {  	[dreg:$0x3] =	wrdreg s2  }
0xb0: {  	[dreg:$0x4] =	wrdreg $0x9  }
0xb1: {  	_ =	task.clear_ibuf [dreg:s7], $0x5FFFF;
	_ =	strace $0x90000049  }
0xb2: {  	s29 =	simm.s32 $0x9;
	_ =	strace $0x8000004B  }
0xb3: {  	_ =	swait.ge [sflag:s29], $0x1  }
0xb4: {  	[sflag:s29] =	ssyncadd.s32 $0xFFFFFFFF  }
0xb5: {  	_ =	strace $0x9000004B  }
0xb6: {  	_ =	sfence  }
0xb7: {  	s30 =	sld [smem:$0x0];
	_ =	sdelay $0x2  }
0xb8: {  	s31 =	sshll.u32 s1, $0xD;
	s1 =	sshrl.u32 s1, $0x2  }
0xb9: {  	s3 =	sand.u32 $0x4000, s31;
	s1 =	sadd.s32 s1, s30  }
0xba: {  	s0 =	sor.u32 s3, s0;
	s1 =	sshll.u32 s1, $0x11  }
0xbb: {  	s0 =	sor.u32 s1, s0  }
0xbc: {  	s0 =	sadd.s32 $0x8F2B, s0  }
0xbd: {  	[sflag:s0] =	ssyncadd.remote.s32 $0x1  }
0xbe: {  	_ =	sfence.sel $0xFFFF  }
0xbf: {  	[dreg:$0x0] =	wrdreg $0xFFFFFFFF;
	(pc) =	sbr.abs _section_cstart, $3  }
0xc0: {  	[dreg:$0x1] =	wrdreg $0xFFFFFFFF  }
0xc1: {  	_ =	task.clear_ibuf [dreg:s7], $0x2FFFF;
	_ =	strace $0x9FFFFFFF  }
0xc2: {  	(tm) =	ssettm $0x7FFFFFFF  }
0xc3: {  	_ =	shalt  }
tec
execute0_lowered:
.L_overlay_start_1:
0x0: {  	(tag) =	ssettag $0x1  }
0x1: {  	s0 =	rddreg [dreg:$0x0]  }
0x2: {  	s1 =	rddreg [dreg:$0x1]  }
0x3: {  	s2 =	srdreg.scid;
	s4 =	stileid.u32  }
0x4: {  	s12 =	simm.s32 $0x3;
	s14 =	simm.s32 $0x100;
	s15 =	simm.s32 $0x180  }
0x5: {  	s16 =	simm.s32 $0x200;
	s22 =	simm.s32 $0x14200;
	s23 =	simm.s32 $0x14A00  }
0x6: {  	s24 =	simm.s32 $0x15200;
	s28 =	simm.s32 $0x16A00;
	s29 =	simm.s32 $0x17200  }
0x7: {  	s30 =	simm.s32 $0x17A00;
	s31 =	simm.s32 $0x1;
	s3 =	sand.u32 $0x1, s2  }
0x8: {  	s2 =	simm.s32 $0x0;
	s4 =	sshll.u32 s4, $0x4;
	s9 =	sadd.s32 $0xC2C00, s0  }
0x9: {  	s5 =	sshll.u32 s3, $0x3;
	[smem:$0x7FF] =	sst s2;
	s25 =	ssub.s32 $0x2, s3  }
0xa: {  	s3 =	sadd.s32 $0xC2A00, s0;
	s7 =	sor.u32 s5, s4;
	s26 =	sshrl.u32 s25, $0x1  }
0xb: {  	_ =	strace $0x8000004A;
	s8 =	sadd.s32 s7, s0;
	s11 =	ssub.s32 s25, s26  }
0xc: {  	s10 =	smul.u32 $0x300, s7;
	s25 =	simm.s32 $0x15A00;
	s26 =	simm.s32 $0x16200  }
0xd: {  	v2 =	vlaneseq.u32;
	s4 =	sadd.s32 $0x2200, s8;
	s5 =	sadd.s32 $0x2400, s8;
	s6 =	sadd.s32 $0x2600, s8  }
0xe: {  	vm0 =	vmmov $0xffff;
	v1 =	vshrl.u32 v2, $0x3;
	s7 =	sadd.s32 $0x2800, s8;
	s8 =	sadd.s32 $0xC2B00, s0;
	s11 =	smax.u32 s11, $0x1  }
0xf: {  	v0 =	vand.u32 $0x7, v2;
	v2 =	vor.u32 $0x8, v2;
	v1 =	vmul.u32 $0x8, v1;
	s0 =	simm.s32 $0x2;
	s10 =	sadd.s32 s1, s10;
	s1 =	simm.s32 $0x0  }
.LBB2_1:
0x10: {  	[tilespmem:s2], [sflag:$0x3] =	stream.linear.gather [hbm4b:s4+s2], $0x40, $0x38;
	[tilespmem:$0x18200] =	vst v63  }
0x11: {  	_ =	swait.ge [sflag:s12], $0x40  }
0x12: {  	[sflag:s12] =	ssyncset.done $0x0  }
0x13: {  	s13 =	simm.s32 $0x80;
	[sflag:s12] =	ssyncadd.s32 $0xFFFFFFC0  }
0x14: {  	[tilespmem:s13], [sflag:$0x3] =	stream.linear.gather [hbm4b:s5+s2], $0x40, $0x38;
	[tilespmem:$0x18200] =	vst v63  }
0x15: {  	_ =	swait.ge [sflag:s12], $0x40  }
0x16: {  	[sflag:s12] =	ssyncset.done $0x0  }
0x17: {  	[sflag:s12] =	ssyncadd.s32 $0xFFFFFFC0  }
0x18: {  	[tilespmem:s14], [sflag:$0x3] =	stream.linear.gather [hbm4b:s6+s2], $0x40, $0x38;
	[tilespmem:$0x18200] =	vst v63  }
0x19: {  	_ =	swait.ge [sflag:s12], $0x40  }
0x1a: {  	[sflag:s12] =	ssyncset.done $0x0  }
0x1b: {  	[sflag:s12] =	ssyncadd.s32 $0xFFFFFFC0  }
0x1c: {  	[tilespmem:s15], [sflag:$0x3] =	stream.linear.gather [hbm4b:s7+s2], $0x40, $0x38;
	[tilespmem:$0x18200] =	vst v63  }
0x1d: {  	_ =	swait.ge [sflag:s12], $0x40  }
0x1e: {  	[sflag:s12] =	ssyncset.done $0x0  }
0x1f: {  	[sflag:s12] =	ssyncadd.s32 $0xFFFFFFC0  }
0x20: {  	v3 =	vld [tilespmem:$0x0];
	_ =	sdelay $0x4  }
0x21: {  	v4 =	vshrl.u32 v3, $0x3  }
0x22: {  	v4 =	vmul.u32 $0x30, v4  }
0x23: {  	v3 =	vand.u32 $0x7, v3  }
0x24: {  	v3 =	vor.u32 v3, v4  }
0x25: {  	v4 =	vperm.xlane v3, v0;
	_ =	sdelay $0x1  }
0x26: {  	v4 =	vadd.s32 v1, v4;
	_ =	sdelay $0x3  }
0x27: {  	v3 =	vperm.xlane v3, v2  }
0x28: {  	[tilespmem:s16], [sflag:$0x1] =	stream.indirect_vreg.gather [hbm4b:s3+s2], $0x80, v4, vm0, $0xb8;
	[tilespmem:$0x18200] =	vst v63  }
0x29: {  	s18 =	simm.s32 $0xA00;
	v3 =	vadd.s32 v1, v3  }
0x2a: {  	[tilespmem:s18], [sflag:$0x1] =	stream.indirect_vreg.gather [hbm4b:s8+s2], $0x80, v4, vm0, $0xb8;
	[tilespmem:$0x18200] =	vst v63  }
0x2b: {  	s19 =	simm.s32 $0x1200  }
0x2c: {  	[tilespmem:s19], [sflag:$0x1] =	stream.indirect_vreg.gather [hbm4b:s9+s2], $0x80, v4, vm0, $0xb8;
	[tilespmem:$0x18200] =	vst v63  }
0x2d: {  	s20 =	simm.s32 $0x1A00  }
0x2e: {  	[tilespmem:s20], [sflag:$0x1] =	stream.indirect_vreg.gather [hbm4b:s3+s2], $0x80, v3, vm0, $0xb8;
	[tilespmem:$0x18200] =	vst v63  }
0x2f: {  	s21 =	simm.s32 $0x2200  }
0x30: {  	[tilespmem:s21], [sflag:$0x1] =	stream.indirect_vreg.gather [hbm4b:s8+s2], $0x80, v3, vm0, $0xb8;
	[tilespmem:$0x18200] =	vst v63  }
0x31: {  	s17 =	simm.s32 $0x2A00  }
0x32: {  	[tilespmem:s17], [sflag:$0x1] =	stream.indirect_vreg.gather [hbm4b:s9+s2], $0x80, v3, vm0, $0xb8;
	[tilespmem:$0x18200] =	vst v63  }
0x33: {  	v3 =	vld [tilespmem:$0x10];
	_ =	sdelay $0x4  }
0x34: {  	v57 =	vshrl.u32 v3, $0x3  }
0x35: {  	v4 =	vmul.u32 $0x30, v57  }
0x36: {  	v3 =	vand.u32 $0x7, v3  }
0x37: {  	v3 =	vor.u32 v3, v4  }
0x38: {  	v4 =	vperm.xlane v3, v0;
	_ =	sdelay $0x1  }
0x39: {  	v4 =	vadd.s32 v1, v4;
	_ =	sdelay $0x3  }
0x3a: {  	s18 =	simm.s32 $0x3200;
	v3 =	vperm.xlane v3, v2  }
0x3b: {  	[tilespmem:s18], [sflag:$0x1] =	stream.indirect_vreg.gather [hbm4b:s3+s2], $0x80, v4, vm0, $0xb8;
	[tilespmem:$0x18200] =	vst v63  }
0x3c: {  	s19 =	simm.s32 $0x3A00;
	v3 =	vadd.s32 v1, v3  }
0x3d: {  	[tilespmem:s19], [sflag:$0x1] =	stream.indirect_vreg.gather [hbm4b:s8+s2], $0x80, v4, vm0, $0xb8;
	[tilespmem:$0x18200] =	vst v63  }
0x3e: {  	s20 =	simm.s32 $0x4200  }
0x3f: {  	[tilespmem:s20], [sflag:$0x1] =	stream.indirect_vreg.gather [hbm4b:s9+s2], $0x80, v4, vm0, $0xb8;
	[tilespmem:$0x18200] =	vst v63  }
0x40: {  	s21 =	simm.s32 $0x4A00  }
0x41: {  	[tilespmem:s21], [sflag:$0x1] =	stream.indirect_vreg.gather [hbm4b:s3+s2], $0x80, v3, vm0, $0xb8;
	[tilespmem:$0x18200] =	vst v63  }
0x42: {  	s17 =	simm.s32 $0x5200  }
0x43: {  	[tilespmem:s17], [sflag:$0x1] =	stream.indirect_vreg.gather [hbm4b:s8+s2], $0x80, v3, vm0, $0xb8;
	[tilespmem:$0x18200] =	vst v63  }
0x44: {  	s18 =	simm.s32 $0x5A00  }
0x45: {  	[tilespmem:s18], [sflag:$0x1] =	stream.indirect_vreg.gather [hbm4b:s9+s2], $0x80, v3, vm0, $0xb8;
	[tilespmem:$0x18200] =	vst v63  }
0x46: {  	v3 =	vld [tilespmem:$0x20];
	_ =	sdelay $0x4  }
0x47: {  	v58 =	vshrl.u32 v3, $0x3  }
0x48: {  	v4 =	vmul.u32 $0x30, v58  }
0x49: {  	v3 =	vand.u32 $0x7, v3  }
0x4a: {  	v3 =	vor.u32 v3, v4  }
0x4b: {  	v4 =	vperm.xlane v3, v0;
	_ =	sdelay $0x1  }
0x4c: {  	v4 =	vadd.s32 v1, v4;
	_ =	sdelay $0x3  }
0x4d: {  	s19 =	simm.s32 $0x6200;
	v3 =	vperm.xlane v3, v2  }
0x4e: {  	[tilespmem:s19], [sflag:$0x1] =	stream.indirect_vreg.gather [hbm4b:s3+s2], $0x80, v4, vm0, $0xb8;
	[tilespmem:$0x18200] =	vst v63  }
0x4f: {  	s20 =	simm.s32 $0x6A00;
	v3 =	vadd.s32 v1, v3  }
0x50: {  	[tilespmem:s20], [sflag:$0x1] =	stream.indirect_vreg.gather [hbm4b:s8+s2], $0x80, v4, vm0, $0xb8;
	[tilespmem:$0x18200] =	vst v63  }
0x51: {  	s21 =	simm.s32 $0x7200  }
0x52: {  	[tilespmem:s21], [sflag:$0x1] =	stream.indirect_vreg.gather [hbm4b:s9+s2], $0x80, v4, vm0, $0xb8;
	[tilespmem:$0x18200] =	vst v63  }
0x53: {  	s17 =	simm.s32 $0x7A00  }
0x54: {  	[tilespmem:s17], [sflag:$0x1] =	stream.indirect_vreg.gather [hbm4b:s3+s2], $0x80, v3, vm0, $0xb8;
	[tilespmem:$0x18200] =	vst v63  }
0x55: {  	s18 =	simm.s32 $0x8200  }
0x56: {  	[tilespmem:s18], [sflag:$0x1] =	stream.indirect_vreg.gather [hbm4b:s8+s2], $0x80, v3, vm0, $0xb8;
	[tilespmem:$0x18200] =	vst v63  }
0x57: {  	s19 =	simm.s32 $0x8A00  }
0x58: {  	[tilespmem:s19], [sflag:$0x1] =	stream.indirect_vreg.gather [hbm4b:s9+s2], $0x80, v3, vm0, $0xb8;
	[tilespmem:$0x18200] =	vst v63  }
0x59: {  	v3 =	vld [tilespmem:$0x30];
	_ =	sdelay $0x4  }
0x5a: {  	v59 =	vshrl.u32 v3, $0x3  }
0x5b: {  	v4 =	vmul.u32 $0x30, v59  }
0x5c: {  	v3 =	vand.u32 $0x7, v3  }
0x5d: {  	v3 =	vor.u32 v3, v4  }
0x5e: {  	v4 =	vperm.xlane v3, v0;
	_ =	sdelay $0x1  }
0x5f: {  	v4 =	vadd.s32 v1, v4;
	_ =	sdelay $0x3  }
0x60: {  	s20 =	simm.s32 $0x9200;
	v3 =	vperm.xlane v3, v2  }
0x61: {  	[tilespmem:s20], [sflag:$0x1] =	stream.indirect_vreg.gather [hbm4b:s3+s2], $0x80, v4, vm0, $0xb8;
	[tilespmem:$0x18200] =	vst v63  }
0x62: {  	s21 =	simm.s32 $0x9A00;
	v3 =	vadd.s32 v1, v3  }
0x63: {  	[tilespmem:s21], [sflag:$0x1] =	stream.indirect_vreg.gather [hbm4b:s8+s2], $0x80, v4, vm0, $0xb8;
	[tilespmem:$0x18200] =	vst v63  }
0x64: {  	s17 =	simm.s32 $0xA200  }
0x65: {  	[tilespmem:s17], [sflag:$0x1] =	stream.indirect_vreg.gather [hbm4b:s9+s2], $0x80, v4, vm0, $0xb8;
	[tilespmem:$0x18200] =	vst v63  }
0x66: {  	s18 =	simm.s32 $0xAA00  }
0x67: {  	[tilespmem:s18], [sflag:$0x1] =	stream.indirect_vreg.gather [hbm4b:s3+s2], $0x80, v3, vm0, $0xb8;
	[tilespmem:$0x18200] =	vst v63  }
0x68: {  	s19 =	simm.s32 $0xB200  }
0x69: {  	[tilespmem:s19], [sflag:$0x1] =	stream.indirect_vreg.gather [hbm4b:s8+s2], $0x80, v3, vm0, $0xb8;
	[tilespmem:$0x18200] =	vst v63  }
0x6a: {  	s20 =	simm.s32 $0xBA00  }
0x6b: {  	[tilespmem:s20], [sflag:$0x1] =	stream.indirect_vreg.gather [hbm4b:s9+s2], $0x80, v3, vm0, $0xb8;
	[tilespmem:$0x18200] =	vst v63  }
0x6c: {  	v3 =	vld [tilespmem:$0x80];
	_ =	sdelay $0x4  }
0x6d: {  	v60 =	vshrl.u32 v3, $0x3  }
0x6e: {  	v4 =	vmul.u32 $0x30, v60  }
0x6f: {  	v3 =	vand.u32 $0x7, v3  }
0x70: {  	v3 =	vor.u32 v3, v4  }
0x71: {  	v4 =	vperm.xlane v3, v0;
	_ =	sdelay $0x1  }
0x72: {  	v4 =	vadd.s32 v1, v4;
	_ =	sdelay $0x3  }
0x73: {  	s21 =	simm.s32 $0xC200;
	v3 =	vperm.xlane v3, v2  }
0x74: {  	[tilespmem:s21], [sflag:$0x2] =	stream.indirect_vreg.gather [hbm4b:s3+s2], $0x80, v4, vm0, $0xb8;
	[tilespmem:$0x18200] =	vst v63  }
0x75: {  	s17 =	simm.s32 $0xCA00;
	v3 =	vadd.s32 v1, v3  }
0x76: {  	[tilespmem:s17], [sflag:$0x2] =	stream.indirect_vreg.gather [hbm4b:s8+s2], $0x80, v4, vm0, $0xb8;
	[tilespmem:$0x18200] =	vst v63  }
0x77: {  	s18 =	simm.s32 $0xD200  }
0x78: {  	[tilespmem:s18], [sflag:$0x2] =	stream.indirect_vreg.gather [hbm4b:s9+s2], $0x80, v4, vm0, $0xb8;
	[tilespmem:$0x18200] =	vst v63  }
0x79: {  	s19 =	simm.s32 $0xDA00  }
0x7a: {  	[tilespmem:s19], [sflag:$0x2] =	stream.indirect_vreg.gather [hbm4b:s3+s2], $0x80, v3, vm0, $0xb8;
	[tilespmem:$0x18200] =	vst v63  }
0x7b: {  	s20 =	simm.s32 $0xE200  }
0x7c: {  	[tilespmem:s20], [sflag:$0x2] =	stream.indirect_vreg.gather [hbm4b:s8+s2], $0x80, v3, vm0, $0xb8;
	[tilespmem:$0x18200] =	vst v63  }
0x7d: {  	s21 =	simm.s32 $0xEA00  }
0x7e: {  	[tilespmem:s21], [sflag:$0x2] =	stream.indirect_vreg.gather [hbm4b:s9+s2], $0x80, v3, vm0, $0xb8;
	[tilespmem:$0x18200] =	vst v63  }
0x7f: {  	v3 =	vld [tilespmem:$0x90];
	_ =	sdelay $0x4  }
0x80: {  	v61 =	vshrl.u32 v3, $0x3  }
0x81: {  	v4 =	vmul.u32 $0x30, v61  }
0x82: {  	v3 =	vand.u32 $0x7, v3  }
0x83: {  	v3 =	vor.u32 v3, v4  }
0x84: {  	v4 =	vperm.xlane v3, v0;
	_ =	sdelay $0x1  }
0x85: {  	v4 =	vadd.s32 v1, v4;
	_ =	sdelay $0x3  }
0x86: {  	s17 =	simm.s32 $0xF200;
	v3 =	vperm.xlane v3, v2  }
0x87: {  	[tilespmem:s17], [sflag:$0x2] =	stream.indirect_vreg.gather [hbm4b:s3+s2], $0x80, v4, vm0, $0xb8;
	[tilespmem:$0x18200] =	vst v63  }
0x88: {  	s18 =	simm.s32 $0xFA00;
	v3 =	vadd.s32 v1, v3  }
0x89: {  	[tilespmem:s18], [sflag:$0x2] =	stream.indirect_vreg.gather [hbm4b:s8+s2], $0x80, v4, vm0, $0xb8;
	[tilespmem:$0x18200] =	vst v63  }
0x8a: {  	s19 =	simm.s32 $0x10200  }
0x8b: {  	[tilespmem:s19], [sflag:$0x2] =	stream.indirect_vreg.gather [hbm4b:s9+s2], $0x80, v4, vm0, $0xb8;
	[tilespmem:$0x18200] =	vst v63  }
0x8c: {  	s20 =	simm.s32 $0x10A00  }
0x8d: {  	[tilespmem:s20], [sflag:$0x2] =	stream.indirect_vreg.gather [hbm4b:s3+s2], $0x80, v3, vm0, $0xb8;
	[tilespmem:$0x18200] =	vst v63  }
0x8e: {  	s21 =	simm.s32 $0x11200  }
0x8f: {  	[tilespmem:s21], [sflag:$0x2] =	stream.indirect_vreg.gather [hbm4b:s8+s2], $0x80, v3, vm0, $0xb8;
	[tilespmem:$0x18200] =	vst v63  }
0x90: {  	s17 =	simm.s32 $0x11A00  }
0x91: {  	[tilespmem:s17], [sflag:$0x2] =	stream.indirect_vreg.gather [hbm4b:s9+s2], $0x80, v3, vm0, $0xb8;
	[tilespmem:$0x18200] =	vst v63  }
0x92: {  	v3 =	vld [tilespmem:$0xA0];
	_ =	sdelay $0x4  }
0x93: {  	v62 =	vshrl.u32 v3, $0x3  }
0x94: {  	v4 =	vmul.u32 $0x30, v62  }
0x95: {  	v3 =	vand.u32 $0x7, v3  }
0x96: {  	v3 =	vor.u32 v3, v4  }
0x97: {  	v4 =	vperm.xlane v3, v0;
	_ =	sdelay $0x1  }
0x98: {  	v4 =	vadd.s32 v1, v4;
	_ =	sdelay $0x3  }
0x99: {  	s18 =	simm.s32 $0x12200;
	v3 =	vperm.xlane v3, v2  }
0x9a: {  	[tilespmem:s18], [sflag:$0x2] =	stream.indirect_vreg.gather [hbm4b:s3+s2], $0x80, v4, vm0, $0xb8;
	[tilespmem:$0x18200] =	vst v63  }
0x9b: {  	s19 =	simm.s32 $0x12A00;
	v3 =	vadd.s32 v1, v3  }
0x9c: {  	[tilespmem:s19], [sflag:$0x2] =	stream.indirect_vreg.gather [hbm4b:s8+s2], $0x80, v4, vm0, $0xb8;
	[tilespmem:$0x18200] =	vst v63  }
0x9d: {  	s20 =	simm.s32 $0x13200  }
0x9e: {  	[tilespmem:s20], [sflag:$0x2] =	stream.indirect_vreg.gather [hbm4b:s9+s2], $0x80, v4, vm0, $0xb8;
	[tilespmem:$0x18200] =	vst v63  }
0x9f: {  	s21 =	simm.s32 $0x13A00  }
0xa0: {  	[tilespmem:s21], [sflag:$0x2] =	stream.indirect_vreg.gather [hbm4b:s3+s2], $0x80, v3, vm0, $0xb8;
	[tilespmem:$0x18200] =	vst v63  }
0xa1: {  	_ = 	snop  }
0xa2: {  	[tilespmem:s22], [sflag:$0x2] =	stream.indirect_vreg.gather [hbm4b:s8+s2], $0x80, v3, vm0, $0xb8;
	[tilespmem:$0x18200] =	vst v63  }
0xa3: {  	_ = 	snop  }
0xa4: {  	[tilespmem:s23], [sflag:$0x2] =	stream.indirect_vreg.gather [hbm4b:s9+s2], $0x80, v3, vm0, $0xb8;
	[tilespmem:$0x18200] =	vst v63  }
0xa5: {  	v3 =	vld [tilespmem:$0xB0];
	_ =	sdelay $0x4  }
0xa6: {  	v63 =	vshrl.u32 v3, $0x3  }
0xa7: {  	v4 =	vmul.u32 $0x30, v63  }
0xa8: {  	v3 =	vand.u32 $0x7, v3  }
0xa9: {  	v3 =	vor.u32 v3, v4  }
0xaa: {  	v4 =	vperm.xlane v3, v0;
	_ =	sdelay $0x1  }
0xab: {  	v4 =	vadd.s32 v1, v4;
	_ =	sdelay $0x3  }
0xac: {  	v3 =	vperm.xlane v3, v2  }
0xad: {  	[tilespmem:s24], [sflag:$0x2] =	stream.indirect_vreg.gather [hbm4b:s3+s2], $0x80, v4, vm0, $0xb8;
	[tilespmem:$0x18200] =	vst v63  }
0xae: {  	v3 =	vadd.s32 v1, v3  }
0xaf: {  	[tilespmem:s25], [sflag:$0x2] =	stream.indirect_vreg.gather [hbm4b:s8+s2], $0x80, v4, vm0, $0xb8;
	[tilespmem:$0x18200] =	vst v63  }
0xb0: {  	_ = 	snop  }
0xb1: {  	[tilespmem:s26], [sflag:$0x2] =	stream.indirect_vreg.gather [hbm4b:s9+s2], $0x80, v4, vm0, $0xb8;
	[tilespmem:$0x18200] =	vst v63  }
0xb2: {  	_ = 	snop  }
0xb3: {  	[tilespmem:s28], [sflag:$0x2] =	stream.indirect_vreg.gather [hbm4b:s3+s2], $0x80, v3, vm0, $0xb8;
	[tilespmem:$0x18200] =	vst v63  }
0xb4: {  	_ = 	snop  }
0xb5: {  	[tilespmem:s29], [sflag:$0x2] =	stream.indirect_vreg.gather [hbm4b:s8+s2], $0x80, v3, vm0, $0xb8;
	[tilespmem:$0x18200] =	vst v63  }
0xb6: {  	_ = 	snop  }
0xb7: {  	[tilespmem:s30], [sflag:$0x2] =	stream.indirect_vreg.gather [hbm4b:s9+s2], $0x80, v3, vm0, $0xb8;
	[tilespmem:$0x18200] =	vst v63  }
0xb8: {  	_ =	swait.ge [sflag:s31], $0xC000  }
0xb9: {  	[sflag:s31] =	ssyncset.done $0x0  }
0xba: {  	[sflag:s31] =	ssyncadd.s32 $0xFFFF4000  }
0xbb: {  	_ =	swait.ge [sflag:s0], $0xC000  }
0xbc: {  	[sflag:s0] =	ssyncset.done $0x0  }
0xbd: {  	s13 =	simm.s32 $0x0;
	s17 =	simm.s32 $0x0;
	[sflag:s0] =	ssyncadd.s32 $0xFFFF4000  }
.LBB2_2:
0xbe: {  	v4 =	vmov s17  }
0xbf: {  	s18 =	sshrl.u32 s17, $0x3  }
0xc0: {  	s19 =	sand.u32 $0x7, s13;
	s18 =	smul.u32 $0x6000, s18  }
0xc1: {  	s19 =	sshll.u32 s19, $0x9  }
0xc2: {  	s18 =	sor.u32 s19, s18  }
0xc3: {  	s19 =	sshra.s32 s18, $0x2;
	v3 =	vld.idx.msk [tilespmem:v4+s14+$0x0], $0xffff  }
0xc4: {  	s18 =	sadd.s32 $0x240, s19;
	v4 =	vld.idx.msk [tilespmem:v4+s15+$0x0], $0xffff  }
0xc5: {  	s19 =	sadd.s32 $0xC240, s19;
	v5 =	vld [tilespmem:s18+$0xFFFFFFC0]  }
0xc6: {  	v6 =	vld [tilespmem:s19+$0xFFFFFFC0];
	_ =	sdelay $0x4  }
0xc7: {  	v5 =	vmul.f32 v5, v3;
	v6 =	vmul.f32 v6, v4;
	_ =	sdelay $0x1  }
0xc8: {  	v5 =	vadd.f32 v6, v5;
	_ =	sdelay $0x1  }
0xc9: {  	[tilespmem:s18+$0xFFFFFFC0] =	vst v5;
	v5 =	vld [tilespmem:s18+$0xFFFFFFD0]  }
0xca: {  	v6 =	vld [tilespmem:s19+$0xFFFFFFD0];
	_ =	sdelay $0x4  }
0xcb: {  	v5 =	vmul.f32 v5, v3;
	v6 =	vmul.f32 v6, v4;
	_ =	sdelay $0x1  }
0xcc: {  	v5 =	vadd.f32 v6, v5;
	_ =	sdelay $0x1  }
0xcd: {  	[tilespmem:s18+$0xFFFFFFD0] =	vst v5;
	v5 =	vld [tilespmem:s18+$0xFFFFFFE0]  }
0xce: {  	v6 =	vld [tilespmem:s19+$0xFFFFFFE0];
	_ =	sdelay $0x4  }
0xcf: {  	v5 =	vmul.f32 v5, v3;
	v6 =	vmul.f32 v6, v4;
	_ =	sdelay $0x1  }
0xd0: {  	v5 =	vadd.f32 v6, v5;
	_ =	sdelay $0x1  }
0xd1: {  	[tilespmem:s18+$0xFFFFFFE0] =	vst v5;
	v5 =	vld [tilespmem:s18+$0xFFFFFFF0]  }
0xd2: {  	v6 =	vld [tilespmem:s19+$0xFFFFFFF0];
	_ =	sdelay $0x4  }
0xd3: {  	v5 =	vmul.f32 v5, v3;
	v6 =	vmul.f32 v6, v4;
	_ =	sdelay $0x1  }
0xd4: {  	v5 =	vadd.f32 v6, v5;
	_ =	sdelay $0x1  }
0xd5: {  	[tilespmem:s18+$0xFFFFFFF0] =	vst v5;
	v5 =	vld [tilespmem:s18+$0x0]  }
0xd6: {  	v6 =	vld [tilespmem:s19+$0x0];
	_ =	sdelay $0x4  }
0xd7: {  	v5 =	vmul.f32 v5, v3;
	v6 =	vmul.f32 v6, v4;
	_ =	sdelay $0x1  }
0xd8: {  	v5 =	vadd.f32 v6, v5;
	_ =	sdelay $0x1  }
0xd9: {  	[tilespmem:s18+$0x0] =	vst v5;
	v5 =	vld [tilespmem:s18+$0x10]  }
0xda: {  	v6 =	vld [tilespmem:s19+$0x10];
	_ =	sdelay $0x4  }
0xdb: {  	v5 =	vmul.f32 v5, v3;
	v6 =	vmul.f32 v6, v4;
	_ =	sdelay $0x1  }
0xdc: {  	v5 =	vadd.f32 v6, v5;
	_ =	sdelay $0x1  }
0xdd: {  	[tilespmem:s18+$0x10] =	vst v5;
	v5 =	vld [tilespmem:s18+$0x20]  }
0xde: {  	v6 =	vld [tilespmem:s19+$0x20];
	_ =	sdelay $0x4  }
0xdf: {  	v5 =	vmul.f32 v5, v3;
	v6 =	vmul.f32 v6, v4;
	_ =	sdelay $0x1  }
0xe0: {  	v5 =	vadd.f32 v6, v5;
	_ =	sdelay $0x1  }
0xe1: {  	[tilespmem:s18+$0x20] =	vst v5;
	v5 =	vld [tilespmem:s18+$0x30]  }
0xe2: {  	v6 =	vld [tilespmem:s19+$0x30];
	_ =	sdelay $0x4  }
0xe3: {  	v5 =	vmul.f32 v5, v3;
	v6 =	vmul.f32 v6, v4;
	_ =	sdelay $0x1  }
0xe4: {  	v5 =	vadd.f32 v6, v5  }
0xe5: {  	s20 =	simm.s32 $0x0;
	s21 =	sadd.s32 $0x400, s18  }
.LBB2_3:
0xe6: {  	v6 =	vld [tilespmem:s21+$0xFFFFFFC0];
	[tilespmem:s18+$0x30] =	vst v5;
	s19 =	sadd.s32 $0x400, s19;
	s18 =	smov.u32 s21  }
0xe7: {  	s20 =	sadd.s32 $0x8, s20;
	v5 =	vld [tilespmem:s19+$0xFFFFFFC0]  }
0xe8: {  	p0 =	slt.u32 s20, $0x28;
	_ =	sdelay $0x3  }
0xe9: {  	v6 =	vmul.f32 v6, v3;
	v5 =	vmul.f32 v5, v4;
	_ =	sdelay $0x1  }
0xea: {  	v5 =	vadd.f32 v5, v6;
	_ =	sdelay $0x1  }
0xeb: {  	[tilespmem:s21+$0xFFFFFFC0] =	vst v5;
	v5 =	vld [tilespmem:s21+$0xFFFFFFD0]  }
0xec: {  	v6 =	vld [tilespmem:s19+$0xFFFFFFD0];
	_ =	sdelay $0x4  }
0xed: {  	v5 =	vmul.f32 v5, v3;
	v6 =	vmul.f32 v6, v4;
	_ =	sdelay $0x1  }
0xee: {  	v5 =	vadd.f32 v6, v5;
	_ =	sdelay $0x1  }
0xef: {  	[tilespmem:s21+$0xFFFFFFD0] =	vst v5;
	v5 =	vld [tilespmem:s21+$0xFFFFFFE0]  }
0xf0: {  	v6 =	vld [tilespmem:s19+$0xFFFFFFE0];
	_ =	sdelay $0x4  }
0xf1: {  	v5 =	vmul.f32 v5, v3;
	v6 =	vmul.f32 v6, v4;
	_ =	sdelay $0x1  }
0xf2: {  	v5 =	vadd.f32 v6, v5;
	_ =	sdelay $0x1  }
0xf3: {  	[tilespmem:s21+$0xFFFFFFE0] =	vst v5;
	v5 =	vld [tilespmem:s21+$0xFFFFFFF0]  }
0xf4: {  	v6 =	vld [tilespmem:s19+$0xFFFFFFF0];
	_ =	sdelay $0x4  }
0xf5: {  	v5 =	vmul.f32 v5, v3;
	v6 =	vmul.f32 v6, v4;
	_ =	sdelay $0x1  }
0xf6: {  	v5 =	vadd.f32 v6, v5;
	_ =	sdelay $0x1  }
0xf7: {  	[tilespmem:s21+$0xFFFFFFF0] =	vst v5;
	v5 =	vld [tilespmem:s21+$0x0]  }
0xf8: {  	v6 =	vld [tilespmem:s19+$0x0];
	_ =	sdelay $0x4  }
0xf9: {  	v5 =	vmul.f32 v5, v3;
	v6 =	vmul.f32 v6, v4;
	_ =	sdelay $0x1  }
0xfa: {  	v5 =	vadd.f32 v6, v5;
	_ =	sdelay $0x1  }
0xfb: {  	[tilespmem:s21+$0x0] =	vst v5;
	v5 =	vld [tilespmem:s21+$0x10]  }
0xfc: {  	v6 =	vld [tilespmem:s19+$0x10];
	_ =	sdelay $0x4  }
0xfd: {  	v5 =	vmul.f32 v5, v3;
	v6 =	vmul.f32 v6, v4;
	_ =	sdelay $0x1  }
0xfe: {  	v5 =	vadd.f32 v6, v5;
	_ =	sdelay $0x1  }
0xff: {  	[tilespmem:s21+$0x10] =	vst v5;
	v5 =	vld [tilespmem:s21+$0x20]  }
0x100: {  	v6 =	vld [tilespmem:s19+$0x20];
	_ =	sdelay $0x4  }
0x101: {  	v5 =	vmul.f32 v5, v3;
	v6 =	vmul.f32 v6, v4;
	_ =	sdelay $0x1  }
0x102: {  	v5 =	vadd.f32 v6, v5;
	_ =	sdelay $0x1  }
0x103: {  	[tilespmem:s21+$0x20] =	vst v5;
	v5 =	vld [tilespmem:s21+$0x30]  }
0x104: {  	v6 =	vld [tilespmem:s19+$0x30];
	_ =	sdelay $0x3  }
.Ltmp0:
0x105: {  	(pc) =	sbr.rel @p0 .LBB2_3-.Ltmp0, $3  }
0x106: {  	v5 =	vmul.f32 v5, v3;
	v6 =	vmul.f32 v6, v4;
	_ =	sdelay $0x1  }
0x107: {  	v5 =	vadd.f32 v6, v5  }
0x108: {  	s21 =	sadd.s32 $0x400, s21  }
0x109: {  	s17 =	sadd.s32 $0x1, s17  }
0x10a: {  	p0 =	sne.s32 s17, $0x40  }
.Ltmp1:
0x10b: {  	_ = 	snop;
	(pc) =	sbr.rel @p0 .LBB2_2-.Ltmp1, $2  }
0x10c: {  	_ =	sdelay $0x2  }
0x10d: {  	[tilespmem:s18+$0x30] =	vst v5;
	s13 =	sadd.s32 $0x1, s13  }
0x10e: {  	s1 =	sadd.s32 $0x1, s1  }
0x10f: {  	p0 =	sne.s32 s1, s11  }
.Ltmp2:
0x110: {  	_ = 	snop;
	(pc) =	sbr.rel @p0 .LBB2_1-.Ltmp2, $4  }
0x111: {  	[hbm4b:s10+s2] =	stream.linear.scatter [tilespmem:s16], [sflag:$0x3], $0xC000, $0x38;
	[tilespmem:$0x18200] =	vst v63  }
0x112: {  	_ =	swait.ge [sflag:s12], $0xC000  }
0x113: {  	[sflag:s12] =	ssyncset.done $0x0  }
0x114: {  	[sflag:s12] =	ssyncadd.s32 $0xFFFF4000  }
0x115: {  	_ =	sfence.sel $0x180000  }
0x116: {  	[bflag:$0x0] =	sbarrier.arrive $0xFFFF  }
0x117: {  	_ =	strace $0x9000004A  }
0x118: {  	s0 =	stileid.u32;
	[bflag:$0x2] =	sbarrier.arrive $0xFFFF  }
0x119: {  	p0 =	sne.s32 s0, $0x0;
	s0 =	rddreg [dreg:$0x2]  }
0x11a: {  	s0 =	sadd.s32 @!p0 $0x100000, s0  }
0x11b: {  	[sflag:s0] =	ssyncadd.tile.s32 @!p0 $0x1;
	_ =	shalt  }
.Lfunc_end2:
_tile_overlayer_lowered:
.L_overlay_start_2:
0x11c: {  	(tag) =	ssettag $0x2  }
0x11d: {  	s0 =	rddreg [dreg:$0x0];
	s2 =	stileid.u32  }
0x11e: {  	s1 =	rddreg [dreg:$0x1];
	p0 =	sne.s32 s2, $0x0  }
0x11f: {  	s3 =	rddreg [dreg:$0x2];
	[bflag:$0x3] =	sbarrier.arrive $0xFFFF;
	s2 =	simm.s32 @!p0 $0x1C03  }
0x120: {  	[timem:s3], [sflag:s2] =	dma.local @!p0 [hbm:s0], s1  }
0x121: {  	s0 =	simm.s32 @!p0 $0x3  }
0x122: {  	_ =	swait.ge @!p0 [sflag:s0], s1  }
0x123: {  	s1 =	ssub.s32 @!p0 $0x0, s1;
	[sflag:s0] =	ssyncset.done @!p0 $0x0  }
0x124: {  	[sflag:s0] =	ssyncadd.s32 @!p0 s1  }
0x125: {  	[bflag:$0x3] =	sbarrier.arrive $0xFFFF  }
0x126: {  	_ =	shalt  }

</sc_bundles>
